<compile_context>
chip_gen: v7x
topology: tpu7x:2x2x1
jax: 0.10.2.dev20260603
libtpu: 0.0.44.dev20260713+nightly
codegen_flags: <defaults>
</compile_context>

<pallas_src>
import functools

import jax
import jax.numpy as jnp
from jax import lax
from jax.experimental import pallas as pl
from jax.experimental.pallas import tpu as pltpu
from jax.experimental.pallas import tpu_sc as plsc

NUM_CORES = 2
NUM_SUBCORES = 16
NW = NUM_CORES * NUM_SUBCORES
CHUNK = 128
NBUF = 4


def _build(B, L, D, V):
    rows_per_w = B // NW
    rest = L - CHUNK
    mesh = plsc.VectorSubcoreMesh(core_axis_name="c", subcore_axis_name="s")

    @functools.partial(
        pl.kernel,
        mesh=mesh,
        out_type=jax.ShapeDtypeStruct((B, L, 2 * D), jnp.float32),
        scratch_types=[
            pltpu.VMEM((rows_per_w, CHUNK), jnp.int32),
            pltpu.VMEM((rows_per_w, rest), jnp.int32),
            pltpu.VMEM((NBUF, L, D), jnp.float32),
            [pltpu.SemaphoreType.DMA] * NBUF,
            [pltpu.SemaphoreType.DMA] * NBUF,
        ],
        compiler_params=pltpu.CompilerParams(use_tc_tiling_on_sc=False),
    )
    def k(y_hbm, table_hbm, out_hbm, idx_a, idx_b, rows_v, gsems, osems):
        wid = lax.axis_index("s") * NUM_CORES + lax.axis_index("c")
        base = wid * rows_per_w
        pltpu.sync_copy(y_hbm.at[pl.ds(base, rows_per_w), pl.ds(0, CHUNK)], idx_a)
        pltpu.sync_copy(y_hbm.at[pl.ds(base, rows_per_w), pl.ds(CHUNK, rest)], idx_b)

        def fire(i, d):
            pltpu.async_copy(
                table_hbm.at[idx_a.at[i]], rows_v.at[d, pl.ds(0, CHUNK)], gsems[d]
            )
            pltpu.async_copy(
                table_hbm.at[idx_b.at[i]], rows_v.at[d, pl.ds(CHUNK, rest)], gsems[d]
            )

        def drain_gathers(i, d):
            pltpu.make_async_copy(
                out_hbm.at[base + i, pl.ds(0, L), pl.ds(0, D)], rows_v.at[d], gsems[d]
            ).wait()

        for d in range(NBUF):
            fire(d, d)

        def body(g, carry):
            for d in range(NBUF):
                i = g * NBUF + d
                drain_gathers(i, d)
                pltpu.async_copy(
                    rows_v.at[d], out_hbm.at[base + i, pl.ds(0, L), pl.ds(0, D)],
                    osems[d],
                )

                @pl.when(i + NBUF < rows_per_w)
                def _():
                    pltpu.make_async_copy(
                        rows_v.at[d], out_hbm.at[base + i, pl.ds(0, L), pl.ds(0, D)],
                        osems[d],
                    ).wait()
                    fire(i + NBUF, d)

            return carry

        lax.fori_loop(0, rows_per_w // NBUF, body, 0)
        for d in range(NBUF):
            i = rows_per_w - NBUF + d
            pltpu.make_async_copy(
                rows_v.at[d], out_hbm.at[base + i, pl.ds(0, L), pl.ds(0, D)],
                osems[d],
            ).wait()

    return k


@jax.jit
def kernel(y, table):
    B, L = y.shape
    V, D = table.shape
    return _build(B, L, D, V)(y, table)[:, :, :D]

# --- scband reference (transcript-rebuilt; emitter-appended) ---
"""Pipeline reference for scband-embedding-21835613733197 (READ-ONLY COPY).

The authoritative reference and input builder live on the scoring server;
editing this copy changes nothing except your own understanding.
"""

import jax, jax.numpy as jnp
import numpy as np

NUM_CLASSES = 1000000
EMBED_DIM = 64
B, L = 4096, 200

def setup_inputs(seed: int = 0) -> dict:
    key = jax.random.key(seed)
    k1, k2 = jax.random.split(key)
    y = jax.random.randint(k1, (B, L), 0, NUM_CLASSES, dtype=jnp.int32)
    table = jax.random.normal(k2, (NUM_CLASSES, EMBED_DIM), dtype=jnp.float32)
    # nn.Embedding with padding_idx=-1 -> row (NUM_CLASSES-1) initialized to zero
    table = table.at[NUM_CLASSES - 1].set(0.0)
    return {"y": y, "table": table}

def reference(y, table):
    # Embedding lookup; dropout p=0 is identity in eval/forward
    out = jnp.take(table, y, axis=0)
    return out

if __name__ == "__main__":
    import jax
    _d = setup_inputs()
    print(jax.jit(kernel)(*tuple(_d.values())))

</pallas_src>

<mosaic_0001>
#map = affine_map<(d0, d1) -> (0, 0)>
#map1 = affine_map<(d0, d1) -> (0, 0, 0)>
module attributes {stable_mosaic.version = 14 : i64} {
  func.func @k(%arg0: i32, %arg1: i32, %arg2: memref<4096x200xi32, #tpu.memory_space<hbm>>, %arg3: memref<1000000x64xf32, #tpu.memory_space<hbm>>, %arg4: memref<4096x200x128xf32, #tpu.memory_space<hbm>>, %arg5: memref<128x128xi32, #tpu.memory_space<vmem>>, %arg6: memref<128x72xi32, #tpu.memory_space<vmem>>, %arg7: memref<4x200x64xf32, #tpu.memory_space<vmem>>, %arg8: memref<!tpu.dma_semaphore, #tpu.memory_space<semaphore_mem>>, %arg9: memref<!tpu.dma_semaphore, #tpu.memory_space<semaphore_mem>>, %arg10: memref<!tpu.dma_semaphore, #tpu.memory_space<semaphore_mem>>, %arg11: memref<!tpu.dma_semaphore, #tpu.memory_space<semaphore_mem>>, %arg12: memref<!tpu.dma_semaphore, #tpu.memory_space<semaphore_mem>>, %arg13: memref<!tpu.dma_semaphore, #tpu.memory_space<semaphore_mem>>, %arg14: memref<!tpu.dma_semaphore, #tpu.memory_space<semaphore_mem>>, %arg15: memref<!tpu.dma_semaphore, #tpu.memory_space<semaphore_mem>>) attributes {dimension_semantics = [#tpu.dimension_semantics<core_parallel>, #tpu.dimension_semantics<subcore_parallel>], iteration_bounds = array<i64: 2, 16>, scalar_prefetch = 0 : i64, scratch_operands = 11 : i64, tpu.core_type = #tpu.core_type<sc_vector_subcore>, window_params = [{transform_indices = #map}, {transform_indices = #map}, {transform_indices = #map1}]} {
    %mul3A = arith.constant 2 : i32
    %mul3A_0 = arith.muli %arg1, %mul3A : i32
    %add3A = arith.addi %mul3A_0, %arg0 : i32
    %mul3A_1 = arith.constant 128 : i32
    %mul3A_2 = arith.muli %add3A, %mul3A_1 : i32
    "tpu.region"() ({
      %run_scoped3A = tpu.sem_alloc : memref<!tpu.dma_semaphore, #tpu.memory_space<semaphore_mem>>
      %dma_start3A_178 = arith.constant 0 : i32
      %dma_start3A_179 = tpu.memref_slice %arg2[%mul3A_2, %dma_start3A_178] : memref<4096x200xi32, #tpu.memory_space<hbm>> -> memref<128x128xi32, #tpu.memory_space<hbm>>
      %dma_start3A_180 = arith.constant 0 : i32
      %dma_start3A_181 = tpu.memref_slice %arg2[%mul3A_2, %dma_start3A_180] : memref<4096x200xi32, #tpu.memory_space<hbm>> -> memref<128x128xi32, #tpu.memory_space<hbm>>
      tpu.enqueue_dma source(%dma_start3A_181 : memref<128x128xi32, #tpu.memory_space<hbm>>) target(%arg5 : memref<128x128xi32, #tpu.memory_space<vmem>>) target_semaphore(%run_scoped3A : memref<!tpu.dma_semaphore, #tpu.memory_space<semaphore_mem>>)
      %dma_wait3A_182 = arith.constant 0 : i32
      %dma_wait3A_183 = tpu.memref_slice %arg2[%mul3A_2, %dma_wait3A_182] : memref<4096x200xi32, #tpu.memory_space<hbm>> -> memref<128x128xi32, #tpu.memory_space<hbm>>
      %dma_wait3A_184 = arith.constant 0 : i32
      %dma_wait3A_185 = tpu.memref_slice %arg2[%mul3A_2, %dma_wait3A_184] : memref<4096x200xi32, #tpu.memory_space<hbm>> -> memref<128x128xi32, #tpu.memory_space<hbm>>
      tpu.wait_dma2 semaphore(%run_scoped3A : memref<!tpu.dma_semaphore, #tpu.memory_space<semaphore_mem>>) src(%dma_wait3A_185 : memref<128x128xi32, #tpu.memory_space<hbm>>) dst(%arg5 : memref<128x128xi32, #tpu.memory_space<vmem>>)
      tpu.yield
    }) : () -> ()
    "tpu.region"() ({
      %run_scoped3A = tpu.sem_alloc : memref<!tpu.dma_semaphore, #tpu.memory_space<semaphore_mem>>
      %dma_start3A_178 = arith.constant 128 : i32
      %dma_start3A_179 = tpu.memref_slice %arg2[%mul3A_2, %dma_start3A_178] : memref<4096x200xi32, #tpu.memory_space<hbm>> -> memref<128x72xi32, #tpu.memory_space<hbm>>
      %dma_start3A_180 = arith.constant 128 : i32
      %dma_start3A_181 = tpu.memref_slice %arg2[%mul3A_2, %dma_start3A_180] : memref<4096x200xi32, #tpu.memory_space<hbm>> -> memref<128x72xi32, #tpu.memory_space<hbm>>
      tpu.enqueue_dma source(%dma_start3A_181 : memref<128x72xi32, #tpu.memory_space<hbm>>) target(%arg6 : memref<128x72xi32, #tpu.memory_space<vmem>>) target_semaphore(%run_scoped3A : memref<!tpu.dma_semaphore, #tpu.memory_space<semaphore_mem>>)
      %dma_wait3A_182 = arith.constant 128 : i32
      %dma_wait3A_183 = tpu.memref_slice %arg2[%mul3A_2, %dma_wait3A_182] : memref<4096x200xi32, #tpu.memory_space<hbm>> -> memref<128x72xi32, #tpu.memory_space<hbm>>
      %dma_wait3A_184 = arith.constant 128 : i32
      %dma_wait3A_185 = tpu.memref_slice %arg2[%mul3A_2, %dma_wait3A_184] : memref<4096x200xi32, #tpu.memory_space<hbm>> -> memref<128x72xi32, #tpu.memory_space<hbm>>
      tpu.wait_dma2 semaphore(%run_scoped3A : memref<!tpu.dma_semaphore, #tpu.memory_space<semaphore_mem>>) src(%dma_wait3A_185 : memref<128x72xi32, #tpu.memory_space<hbm>>) dst(%arg6 : memref<128x72xi32, #tpu.memory_space<vmem>>)
      tpu.yield
    }) : () -> ()
    %dma_start3A = arith.constant 0 : i32
    %dma_start3A_3 = arith.constant 0 : i32
    %dma_start3A_4 = arith.constant 0 : i32
    %dma_start3A_5 = arith.constant 0 : i32
    %dma_start3A_6 = tpu.memref_slice %arg7[%dma_start3A_3, %dma_start3A_4, %dma_start3A_5] : memref<4x200x64xf32, #tpu.memory_space<vmem>> -> memref<1x128x64xf32, #tpu.memory_space<vmem>>
    %dma_start3A_7 = tpu.memref_squeeze %dma_start3A_6 : memref<1x128x64xf32, #tpu.memory_space<vmem>> -> memref<128x64xf32, #tpu.memory_space<vmem>>
    %dma_start3A_8 = arith.constant 0 : i32
    %dma_start3A_9 = tpu.memref_slice %arg5[%dma_start3A, %dma_start3A_8] : memref<128x128xi32, #tpu.memory_space<vmem>> -> memref<1x128xi32, #tpu.memory_space<vmem>>
    %dma_start3A_10 = tpu.memref_squeeze %dma_start3A_9 : memref<1x128xi32, #tpu.memory_space<vmem>> -> memref<128xi32, #tpu.memory_space<vmem>>
    %dma_start3A_11 = arith.constant 0 : i32
    %dma_start3A_12 = arith.constant 0 : i32
    %dma_start3A_13 = tpu.memref_slice %arg3[%dma_start3A_11, %dma_start3A_12] : memref<1000000x64xf32, #tpu.memory_space<hbm>> -> memref<1000000x64xf32, #tpu.memory_space<hbm>>
    tpu.enqueue_indirect_dma source(%dma_start3A_13 : memref<1000000x64xf32, #tpu.memory_space<hbm>>) target(%dma_start3A_7 : memref<128x64xf32, #tpu.memory_space<vmem>>) offsets(%dma_start3A_10 : memref<128xi32, #tpu.memory_space<vmem>>) semaphore(%arg8 : memref<!tpu.dma_semaphore, #tpu.memory_space<semaphore_mem>>)
    %dma_start3A_14 = arith.constant 0 : i32
    %dma_start3A_15 = arith.constant 0 : i32
    %dma_start3A_16 = arith.constant 128 : i32
    %dma_start3A_17 = arith.constant 0 : i32
    %dma_start3A_18 = tpu.memref_slice %arg7[%dma_start3A_15, %dma_start3A_16, %dma_start3A_17] : memref<4x200x64xf32, #tpu.memory_space<vmem>> -> memref<1x72x64xf32, #tpu.memory_space<vmem>>
    %dma_start3A_19 = tpu.memref_squeeze %dma_start3A_18 : memref<1x72x64xf32, #tpu.memory_space<vmem>> -> memref<72x64xf32, #tpu.memory_space<vmem>>
    %dma_start3A_20 = arith.constant 0 : i32
    %dma_start3A_21 = tpu.memref_slice %arg6[%dma_start3A_14, %dma_start3A_20] : memref<128x72xi32, #tpu.memory_space<vmem>> -> memref<1x72xi32, #tpu.memory_space<vmem>>
    %dma_start3A_22 = tpu.memref_squeeze %dma_start3A_21 : memref<1x72xi32, #tpu.memory_space<vmem>> -> memref<72xi32, #tpu.memory_space<vmem>>
    %dma_start3A_23 = arith.constant 0 : i32
    %dma_start3A_24 = arith.constant 0 : i32
    %dma_start3A_25 = tpu.memref_slice %arg3[%dma_start3A_23, %dma_start3A_24] : memref<1000000x64xf32, #tpu.memory_space<hbm>> -> memref<1000000x64xf32, #tpu.memory_space<hbm>>
    tpu.enqueue_indirect_dma source(%dma_start3A_25 : memref<1000000x64xf32, #tpu.memory_space<hbm>>) target(%dma_start3A_19 : memref<72x64xf32, #tpu.memory_space<vmem>>) offsets(%dma_start3A_22 : memref<72xi32, #tpu.memory_space<vmem>>) semaphore(%arg8 : memref<!tpu.dma_semaphore, #tpu.memory_space<semaphore_mem>>)
    %dma_start3A_26 = arith.constant 1 : i32
    %dma_start3A_27 = arith.constant 1 : i32
    %dma_start3A_28 = arith.constant 0 : i32
    %dma_start3A_29 = arith.constant 0 : i32
    %dma_start3A_30 = tpu.memref_slice %arg7[%dma_start3A_27, %dma_start3A_28, %dma_start3A_29] : memref<4x200x64xf32, #tpu.memory_space<vmem>> -> memref<1x128x64xf32, #tpu.memory_space<vmem>>
    %dma_start3A_31 = tpu.memref_squeeze %dma_start3A_30 : memref<1x128x64xf32, #tpu.memory_space<vmem>> -> memref<128x64xf32, #tpu.memory_space<vmem>>
    %dma_start3A_32 = arith.constant 0 : i32
    %dma_start3A_33 = tpu.memref_slice %arg5[%dma_start3A_26, %dma_start3A_32] : memref<128x128xi32, #tpu.memory_space<vmem>> -> memref<1x128xi32, #tpu.memory_space<vmem>>
    %dma_start3A_34 = tpu.memref_squeeze %dma_start3A_33 : memref<1x128xi32, #tpu.memory_space<vmem>> -> memref<128xi32, #tpu.memory_space<vmem>>
    %dma_start3A_35 = arith.constant 0 : i32
    %dma_start3A_36 = arith.constant 0 : i32
    %dma_start3A_37 = tpu.memref_slice %arg3[%dma_start3A_35, %dma_start3A_36] : memref<1000000x64xf32, #tpu.memory_space<hbm>> -> memref<1000000x64xf32, #tpu.memory_space<hbm>>
    tpu.enqueue_indirect_dma source(%dma_start3A_37 : memref<1000000x64xf32, #tpu.memory_space<hbm>>) target(%dma_start3A_31 : memref<128x64xf32, #tpu.memory_space<vmem>>) offsets(%dma_start3A_34 : memref<128xi32, #tpu.memory_space<vmem>>) semaphore(%arg9 : memref<!tpu.dma_semaphore, #tpu.memory_space<semaphore_mem>>)
    %dma_start3A_38 = arith.constant 1 : i32
    %dma_start3A_39 = arith.constant 1 : i32
    %dma_start3A_40 = arith.constant 128 : i32
    %dma_start3A_41 = arith.constant 0 : i32
    %dma_start3A_42 = tpu.memref_slice %arg7[%dma_start3A_39, %dma_start3A_40, %dma_start3A_41] : memref<4x200x64xf32, #tpu.memory_space<vmem>> -> memref<1x72x64xf32, #tpu.memory_space<vmem>>
    %dma_start3A_43 = tpu.memref_squeeze %dma_start3A_42 : memref<1x72x64xf32, #tpu.memory_space<vmem>> -> memref<72x64xf32, #tpu.memory_space<vmem>>
    %dma_start3A_44 = arith.constant 0 : i32
    %dma_start3A_45 = tpu.memref_slice %arg6[%dma_start3A_38, %dma_start3A_44] : memref<128x72xi32, #tpu.memory_space<vmem>> -> memref<1x72xi32, #tpu.memory_space<vmem>>
    %dma_start3A_46 = tpu.memref_squeeze %dma_start3A_45 : memref<1x72xi32, #tpu.memory_space<vmem>> -> memref<72xi32, #tpu.memory_space<vmem>>
    %dma_start3A_47 = arith.constant 0 : i32
    %dma_start3A_48 = arith.constant 0 : i32
    %dma_start3A_49 = tpu.memref_slice %arg3[%dma_start3A_47, %dma_start3A_48] : memref<1000000x64xf32, #tpu.memory_space<hbm>> -> memref<1000000x64xf32, #tpu.memory_space<hbm>>
    tpu.enqueue_indirect_dma source(%dma_start3A_49 : memref<1000000x64xf32, #tpu.memory_space<hbm>>) target(%dma_start3A_43 : memref<72x64xf32, #tpu.memory_space<vmem>>) offsets(%dma_start3A_46 : memref<72xi32, #tpu.memory_space<vmem>>) semaphore(%arg9 : memref<!tpu.dma_semaphore, #tpu.memory_space<semaphore_mem>>)
    %dma_start3A_50 = arith.constant 2 : i32
    %dma_start3A_51 = arith.constant 2 : i32
    %dma_start3A_52 = arith.constant 0 : i32
    %dma_start3A_53 = arith.constant 0 : i32
    %dma_start3A_54 = tpu.memref_slice %arg7[%dma_start3A_51, %dma_start3A_52, %dma_start3A_53] : memref<4x200x64xf32, #tpu.memory_space<vmem>> -> memref<1x128x64xf32, #tpu.memory_space<vmem>>
    %dma_start3A_55 = tpu.memref_squeeze %dma_start3A_54 : memref<1x128x64xf32, #tpu.memory_space<vmem>> -> memref<128x64xf32, #tpu.memory_space<vmem>>
    %dma_start3A_56 = arith.constant 0 : i32
    %dma_start3A_57 = tpu.memref_slice %arg5[%dma_start3A_50, %dma_start3A_56] : memref<128x128xi32, #tpu.memory_space<vmem>> -> memref<1x128xi32, #tpu.memory_space<vmem>>
    %dma_start3A_58 = tpu.memref_squeeze %dma_start3A_57 : memref<1x128xi32, #tpu.memory_space<vmem>> -> memref<128xi32, #tpu.memory_space<vmem>>
    %dma_start3A_59 = arith.constant 0 : i32
    %dma_start3A_60 = arith.constant 0 : i32
    %dma_start3A_61 = tpu.memref_slice %arg3[%dma_start3A_59, %dma_start3A_60] : memref<1000000x64xf32, #tpu.memory_space<hbm>> -> memref<1000000x64xf32, #tpu.memory_space<hbm>>
    tpu.enqueue_indirect_dma source(%dma_start3A_61 : memref<1000000x64xf32, #tpu.memory_space<hbm>>) target(%dma_start3A_55 : memref<128x64xf32, #tpu.memory_space<vmem>>) offsets(%dma_start3A_58 : memref<128xi32, #tpu.memory_space<vmem>>) semaphore(%arg10 : memref<!tpu.dma_semaphore, #tpu.memory_space<semaphore_mem>>)
    %dma_start3A_62 = arith.constant 2 : i32
    %dma_start3A_63 = arith.constant 2 : i32
    %dma_start3A_64 = arith.constant 128 : i32
    %dma_start3A_65 = arith.constant 0 : i32
    %dma_start3A_66 = tpu.memref_slice %arg7[%dma_start3A_63, %dma_start3A_64, %dma_start3A_65] : memref<4x200x64xf32, #tpu.memory_space<vmem>> -> memref<1x72x64xf32, #tpu.memory_space<vmem>>
    %dma_start3A_67 = tpu.memref_squeeze %dma_start3A_66 : memref<1x72x64xf32, #tpu.memory_space<vmem>> -> memref<72x64xf32, #tpu.memory_space<vmem>>
    %dma_start3A_68 = arith.constant 0 : i32
    %dma_start3A_69 = tpu.memref_slice %arg6[%dma_start3A_62, %dma_start3A_68] : memref<128x72xi32, #tpu.memory_space<vmem>> -> memref<1x72xi32, #tpu.memory_space<vmem>>
    %dma_start3A_70 = tpu.memref_squeeze %dma_start3A_69 : memref<1x72xi32, #tpu.memory_space<vmem>> -> memref<72xi32, #tpu.memory_space<vmem>>
    %dma_start3A_71 = arith.constant 0 : i32
    %dma_start3A_72 = arith.constant 0 : i32
    %dma_start3A_73 = tpu.memref_slice %arg3[%dma_start3A_71, %dma_start3A_72] : memref<1000000x64xf32, #tpu.memory_space<hbm>> -> memref<1000000x64xf32, #tpu.memory_space<hbm>>
    tpu.enqueue_indirect_dma source(%dma_start3A_73 : memref<1000000x64xf32, #tpu.memory_space<hbm>>) target(%dma_start3A_67 : memref<72x64xf32, #tpu.memory_space<vmem>>) offsets(%dma_start3A_70 : memref<72xi32, #tpu.memory_space<vmem>>) semaphore(%arg10 : memref<!tpu.dma_semaphore, #tpu.memory_space<semaphore_mem>>)
    %dma_start3A_74 = arith.constant 3 : i32
    %dma_start3A_75 = arith.constant 3 : i32
    %dma_start3A_76 = arith.constant 0 : i32
    %dma_start3A_77 = arith.constant 0 : i32
    %dma_start3A_78 = tpu.memref_slice %arg7[%dma_start3A_75, %dma_start3A_76, %dma_start3A_77] : memref<4x200x64xf32, #tpu.memory_space<vmem>> -> memref<1x128x64xf32, #tpu.memory_space<vmem>>
    %dma_start3A_79 = tpu.memref_squeeze %dma_start3A_78 : memref<1x128x64xf32, #tpu.memory_space<vmem>> -> memref<128x64xf32, #tpu.memory_space<vmem>>
    %dma_start3A_80 = arith.constant 0 : i32
    %dma_start3A_81 = tpu.memref_slice %arg5[%dma_start3A_74, %dma_start3A_80] : memref<128x128xi32, #tpu.memory_space<vmem>> -> memref<1x128xi32, #tpu.memory_space<vmem>>
    %dma_start3A_82 = tpu.memref_squeeze %dma_start3A_81 : memref<1x128xi32, #tpu.memory_space<vmem>> -> memref<128xi32, #tpu.memory_space<vmem>>
    %dma_start3A_83 = arith.constant 0 : i32
    %dma_start3A_84 = arith.constant 0 : i32
    %dma_start3A_85 = tpu.memref_slice %arg3[%dma_start3A_83, %dma_start3A_84] : memref<1000000x64xf32, #tpu.memory_space<hbm>> -> memref<1000000x64xf32, #tpu.memory_space<hbm>>
    tpu.enqueue_indirect_dma source(%dma_start3A_85 : memref<1000000x64xf32, #tpu.memory_space<hbm>>) target(%dma_start3A_79 : memref<128x64xf32, #tpu.memory_space<vmem>>) offsets(%dma_start3A_82 : memref<128xi32, #tpu.memory_space<vmem>>) semaphore(%arg11 : memref<!tpu.dma_semaphore, #tpu.memory_space<semaphore_mem>>)
    %dma_start3A_86 = arith.constant 3 : i32
    %dma_start3A_87 = arith.constant 3 : i32
    %dma_start3A_88 = arith.constant 128 : i32
    %dma_start3A_89 = arith.constant 0 : i32
    %dma_start3A_90 = tpu.memref_slice %arg7[%dma_start3A_87, %dma_start3A_88, %dma_start3A_89] : memref<4x200x64xf32, #tpu.memory_space<vmem>> -> memref<1x72x64xf32, #tpu.memory_space<vmem>>
    %dma_start3A_91 = tpu.memref_squeeze %dma_start3A_90 : memref<1x72x64xf32, #tpu.memory_space<vmem>> -> memref<72x64xf32, #tpu.memory_space<vmem>>
    %dma_start3A_92 = arith.constant 0 : i32
    %dma_start3A_93 = tpu.memref_slice %arg6[%dma_start3A_86, %dma_start3A_92] : memref<128x72xi32, #tpu.memory_space<vmem>> -> memref<1x72xi32, #tpu.memory_space<vmem>>
    %dma_start3A_94 = tpu.memref_squeeze %dma_start3A_93 : memref<1x72xi32, #tpu.memory_space<vmem>> -> memref<72xi32, #tpu.memory_space<vmem>>
    %dma_start3A_95 = arith.constant 0 : i32
    %dma_start3A_96 = arith.constant 0 : i32
    %dma_start3A_97 = tpu.memref_slice %arg3[%dma_start3A_95, %dma_start3A_96] : memref<1000000x64xf32, #tpu.memory_space<hbm>> -> memref<1000000x64xf32, #tpu.memory_space<hbm>>
    tpu.enqueue_indirect_dma source(%dma_start3A_97 : memref<1000000x64xf32, #tpu.memory_space<hbm>>) target(%dma_start3A_91 : memref<72x64xf32, #tpu.memory_space<vmem>>) offsets(%dma_start3A_94 : memref<72xi32, #tpu.memory_space<vmem>>) semaphore(%arg11 : memref<!tpu.dma_semaphore, #tpu.memory_space<semaphore_mem>>)
    %scan3A = arith.constant 0 : i32
    %scan3A_98 = arith.constant 0 : i32
    %scan3A_99 = arith.constant 32 : i32
    %scan3A_100 = arith.addi %scan3A_98, %scan3A_99 : i32
    %scan3A_101 = arith.constant 1 : i32
    scf.for %scan3A_178 = %scan3A_98 to %scan3A_100 step %scan3A_101  : i32 {
      %mul3A_179 = arith.constant 4 : i32
      %mul3A_180 = arith.muli %scan3A_178, %mul3A_179 : i32
      %add3A_181 = arith.constant 0 : i32
      %add3A_182 = arith.addi %mul3A_180, %add3A_181 : i32
      %add3A_183 = arith.addi %mul3A_2, %add3A_182 : i32
      %dma_wait3A_184 = arith.constant 0 : i32
      %dma_wait3A_185 = arith.constant 0 : i32
      %dma_wait3A_186 = arith.constant 0 : i32
      %dma_wait3A_187 = tpu.memref_slice %arg7[%dma_wait3A_184, %dma_wait3A_185, %dma_wait3A_186] : memref<4x200x64xf32, #tpu.memory_space<vmem>> -> memref<1x200x64xf32, #tpu.memory_space<vmem>>
      %dma_wait3A_188 = tpu.memref_squeeze %dma_wait3A_187 : memref<1x200x64xf32, #tpu.memory_space<vmem>> -> memref<200x64xf32, #tpu.memory_space<vmem>>
      %dma_wait3A_189 = arith.constant 0 : i32
      %dma_wait3A_190 = arith.constant 0 : i32
      %dma_wait3A_191 = tpu.memref_slice %arg4[%add3A_183, %dma_wait3A_189, %dma_wait3A_190] : memref<4096x200x128xf32, #tpu.memory_space<hbm>> -> memref<1x200x64xf32, #tpu.memory_space<hbm>>
      %dma_wait3A_192 = tpu.memref_squeeze %dma_wait3A_191 : memref<1x200x64xf32, #tpu.memory_space<hbm>> -> memref<200x64xf32, #tpu.memory_space<hbm>>
      %dma_wait3A_193 = arith.constant 0 : i32
      %dma_wait3A_194 = arith.constant 0 : i32
      %dma_wait3A_195 = tpu.memref_slice %arg7[%dma_wait3A_184, %dma_wait3A_193, %dma_wait3A_194] : memref<4x200x64xf32, #tpu.memory_space<vmem>> -> memref<1x200x64xf32, #tpu.memory_space<vmem>>
      %dma_wait3A_196 = tpu.memref_squeeze %dma_wait3A_195 : memref<1x200x64xf32, #tpu.memory_space<vmem>> -> memref<200x64xf32, #tpu.memory_space<vmem>>
      %dma_wait3A_197 = arith.constant 0 : i32
      %dma_wait3A_198 = arith.constant 0 : i32
      %dma_wait3A_199 = tpu.memref_slice %arg4[%add3A_183, %dma_wait3A_197, %dma_wait3A_198] : memref<4096x200x128xf32, #tpu.memory_space<hbm>> -> memref<1x200x64xf32, #tpu.memory_space<hbm>>
      %dma_wait3A_200 = tpu.memref_squeeze %dma_wait3A_199 : memref<1x200x64xf32, #tpu.memory_space<hbm>> -> memref<200x64xf32, #tpu.memory_space<hbm>>
      tpu.wait_dma2 semaphore(%arg8 : memref<!tpu.dma_semaphore, #tpu.memory_space<semaphore_mem>>) src(%dma_wait3A_200 : memref<200x64xf32, #tpu.memory_space<hbm>>) dst(%dma_wait3A_196 : memref<200x64xf32, #tpu.memory_space<vmem>>)
      %add3A_201 = arith.addi %mul3A_2, %add3A_182 : i32
      %dma_start3A_202 = arith.constant 0 : i32
      %dma_start3A_203 = arith.constant 0 : i32
      %dma_start3A_204 = arith.constant 0 : i32
      %dma_start3A_205 = tpu.memref_slice %arg7[%dma_start3A_202, %dma_start3A_203, %dma_start3A_204] : memref<4x200x64xf32, #tpu.memory_space<vmem>> -> memref<1x200x64xf32, #tpu.memory_space<vmem>>
      %dma_start3A_206 = tpu.memref_squeeze %dma_start3A_205 : memref<1x200x64xf32, #tpu.memory_space<vmem>> -> memref<200x64xf32, #tpu.memory_space<vmem>>
      %dma_start3A_207 = arith.constant 0 : i32
      %dma_start3A_208 = arith.constant 0 : i32
      %dma_start3A_209 = tpu.memref_slice %arg4[%add3A_201, %dma_start3A_207, %dma_start3A_208] : memref<4096x200x128xf32, #tpu.memory_space<hbm>> -> memref<1x200x64xf32, #tpu.memory_space<hbm>>
      %dma_start3A_210 = tpu.memref_squeeze %dma_start3A_209 : memref<1x200x64xf32, #tpu.memory_space<hbm>> -> memref<200x64xf32, #tpu.memory_space<hbm>>
      %dma_start3A_211 = arith.constant 0 : i32
      %dma_start3A_212 = arith.constant 0 : i32
      %dma_start3A_213 = tpu.memref_slice %arg4[%add3A_201, %dma_start3A_211, %dma_start3A_212] : memref<4096x200x128xf32, #tpu.memory_space<hbm>> -> memref<1x200x64xf32, #tpu.memory_space<hbm>>
      %dma_start3A_214 = tpu.memref_squeeze %dma_start3A_213 : memref<1x200x64xf32, #tpu.memory_space<hbm>> -> memref<200x64xf32, #tpu.memory_space<hbm>>
      %dma_start3A_215 = arith.constant 0 : i32
      %dma_start3A_216 = arith.constant 0 : i32
      %dma_start3A_217 = tpu.memref_slice %arg7[%dma_start3A_202, %dma_start3A_215, %dma_start3A_216] : memref<4x200x64xf32, #tpu.memory_space<vmem>> -> memref<1x200x64xf32, #tpu.memory_space<vmem>>
      %dma_start3A_218 = tpu.memref_squeeze %dma_start3A_217 : memref<1x200x64xf32, #tpu.memory_space<vmem>> -> memref<200x64xf32, #tpu.memory_space<vmem>>
      tpu.enqueue_dma source(%dma_start3A_218 : memref<200x64xf32, #tpu.memory_space<vmem>>) target(%dma_start3A_214 : memref<200x64xf32, #tpu.memory_space<hbm>>) target_semaphore(%arg12 : memref<!tpu.dma_semaphore, #tpu.memory_space<semaphore_mem>>)
      %add3A_219 = arith.constant 4 : i32
      %add3A_220 = arith.addi %add3A_182, %add3A_219 : i32
      %lt3A = arith.constant 128 : i32
      %lt3A_221 = arith.cmpi slt, %add3A_220, %lt3A : i32
      %convert_element_type3A = arith.extui %lt3A_221 : i1 to i32
      %cond3A = arith.constant 0 : i32
      %cond3A_222 = arith.cmpi ne, %convert_element_type3A, %cond3A : i32
      scf.if %cond3A_222 {
        %add3A_364 = arith.addi %mul3A_2, %add3A_182 : i32
        %dma_wait3A_365 = arith.constant 0 : i32
        %dma_wait3A_366 = arith.constant 0 : i32
        %dma_wait3A_367 = arith.constant 0 : i32
        %dma_wait3A_368 = tpu.memref_slice %arg7[%dma_wait3A_365, %dma_wait3A_366, %dma_wait3A_367] : memref<4x200x64xf32, #tpu.memory_space<vmem>> -> memref<1x200x64xf32, #tpu.memory_space<vmem>>
        %dma_wait3A_369 = tpu.memref_squeeze %dma_wait3A_368 : memref<1x200x64xf32, #tpu.memory_space<vmem>> -> memref<200x64xf32, #tpu.memory_space<vmem>>
        %dma_wait3A_370 = arith.constant 0 : i32
        %dma_wait3A_371 = arith.constant 0 : i32
        %dma_wait3A_372 = tpu.memref_slice %arg4[%add3A_364, %dma_wait3A_370, %dma_wait3A_371] : memref<4096x200x128xf32, #tpu.memory_space<hbm>> -> memref<1x200x64xf32, #tpu.memory_space<hbm>>
        %dma_wait3A_373 = tpu.memref_squeeze %dma_wait3A_372 : memref<1x200x64xf32, #tpu.memory_space<hbm>> -> memref<200x64xf32, #tpu.memory_space<hbm>>
        %dma_wait3A_374 = arith.constant 0 : i32
        %dma_wait3A_375 = arith.constant 0 : i32
        %dma_wait3A_376 = tpu.memref_slice %arg4[%add3A_364, %dma_wait3A_374, %dma_wait3A_375] : memref<4096x200x128xf32, #tpu.memory_space<hbm>> -> memref<1x200x64xf32, #tpu.memory_space<hbm>>
        %dma_wait3A_377 = tpu.memref_squeeze %dma_wait3A_376 : memref<1x200x64xf32, #tpu.memory_space<hbm>> -> memref<200x64xf32, #tpu.memory_space<hbm>>
        %dma_wait3A_378 = arith.constant 0 : i32
        %dma_wait3A_379 = arith.constant 0 : i32
        %dma_wait3A_380 = tpu.memref_slice %arg7[%dma_wait3A_365, %dma_wait3A_378, %dma_wait3A_379] : memref<4x200x64xf32, #tpu.memory_space<vmem>> -> memref<1x200x64xf32, #tpu.memory_space<vmem>>
        %dma_wait3A_381 = tpu.memref_squeeze %dma_wait3A_380 : memref<1x200x64xf32, #tpu.memory_space<vmem>> -> memref<200x64xf32, #tpu.memory_space<vmem>>
        tpu.wait_dma2 semaphore(%arg12 : memref<!tpu.dma_semaphore, #tpu.memory_space<semaphore_mem>>) src(%dma_wait3A_381 : memref<200x64xf32, #tpu.memory_space<vmem>>) dst(%dma_wait3A_377 : memref<200x64xf32, #tpu.memory_space<hbm>>)
        %add3A_382 = arith.constant 4 : i32
        %add3A_383 = arith.addi %add3A_182, %add3A_382 : i32
        %dma_start3A_384 = arith.constant 0 : i32
        %dma_start3A_385 = arith.constant 0 : i32
        %dma_start3A_386 = arith.constant 0 : i32
        %dma_start3A_387 = tpu.memref_slice %arg7[%dma_start3A_384, %dma_start3A_385, %dma_start3A_386] : memref<4x200x64xf32, #tpu.memory_space<vmem>> -> memref<1x128x64xf32, #tpu.memory_space<vmem>>
        %dma_start3A_388 = tpu.memref_squeeze %dma_start3A_387 : memref<1x128x64xf32, #tpu.memory_space<vmem>> -> memref<128x64xf32, #tpu.memory_space<vmem>>
        %dma_start3A_389 = arith.constant 0 : i32
        %dma_start3A_390 = tpu.memref_slice %arg5[%add3A_383, %dma_start3A_389] : memref<128x128xi32, #tpu.memory_space<vmem>> -> memref<1x128xi32, #tpu.memory_space<vmem>>
        %dma_start3A_391 = tpu.memref_squeeze %dma_start3A_390 : memref<1x128xi32, #tpu.memory_space<vmem>> -> memref<128xi32, #tpu.memory_space<vmem>>
        %dma_start3A_392 = arith.constant 0 : i32
        %dma_start3A_393 = arith.constant 0 : i32
        %dma_start3A_394 = tpu.memref_slice %arg3[%dma_start3A_392, %dma_start3A_393] : memref<1000000x64xf32, #tpu.memory_space<hbm>> -> memref<1000000x64xf32, #tpu.memory_space<hbm>>
        tpu.enqueue_indirect_dma source(%dma_start3A_394 : memref<1000000x64xf32, #tpu.memory_space<hbm>>) target(%dma_start3A_388 : memref<128x64xf32, #tpu.memory_space<vmem>>) offsets(%dma_start3A_391 : memref<128xi32, #tpu.memory_space<vmem>>) semaphore(%arg8 : memref<!tpu.dma_semaphore, #tpu.memory_space<semaphore_mem>>)
        %dma_start3A_395 = arith.constant 0 : i32
        %dma_start3A_396 = arith.constant 128 : i32
        %dma_start3A_397 = arith.constant 0 : i32
        %dma_start3A_398 = tpu.memref_slice %arg7[%dma_start3A_395, %dma_start3A_396, %dma_start3A_397] : memref<4x200x64xf32, #tpu.memory_space<vmem>> -> memref<1x72x64xf32, #tpu.memory_space<vmem>>
        %dma_start3A_399 = tpu.memref_squeeze %dma_start3A_398 : memref<1x72x64xf32, #tpu.memory_space<vmem>> -> memref<72x64xf32, #tpu.memory_space<vmem>>
        %dma_start3A_400 = arith.constant 0 : i32
        %dma_start3A_401 = tpu.memref_slice %arg6[%add3A_383, %dma_start3A_400] : memref<128x72xi32, #tpu.memory_space<vmem>> -> memref<1x72xi32, #tpu.memory_space<vmem>>
        %dma_start3A_402 = tpu.memref_squeeze %dma_start3A_401 : memref<1x72xi32, #tpu.memory_space<vmem>> -> memref<72xi32, #tpu.memory_space<vmem>>
        %dma_start3A_403 = arith.constant 0 : i32
        %dma_start3A_404 = arith.constant 0 : i32
        %dma_start3A_405 = tpu.memref_slice %arg3[%dma_start3A_403, %dma_start3A_404] : memref<1000000x64xf32, #tpu.memory_space<hbm>> -> memref<1000000x64xf32, #tpu.memory_space<hbm>>
        tpu.enqueue_indirect_dma source(%dma_start3A_405 : memref<1000000x64xf32, #tpu.memory_space<hbm>>) target(%dma_start3A_399 : memref<72x64xf32, #tpu.memory_space<vmem>>) offsets(%dma_start3A_402 : memref<72xi32, #tpu.memory_space<vmem>>) semaphore(%arg8 : memref<!tpu.dma_semaphore, #tpu.memory_space<semaphore_mem>>)
      } else {
      }
      %mul3A_223 = arith.constant 4 : i32
      %mul3A_224 = arith.muli %scan3A_178, %mul3A_223 : i32
      %add3A_225 = arith.constant 1 : i32
      %add3A_226 = arith.addi %mul3A_224, %add3A_225 : i32
      %add3A_227 = arith.addi %mul3A_2, %add3A_226 : i32
      %dma_wait3A_228 = arith.constant 1 : i32
      %dma_wait3A_229 = arith.constant 0 : i32
      %dma_wait3A_230 = arith.constant 0 : i32
      %dma_wait3A_231 = tpu.memref_slice %arg7[%dma_wait3A_228, %dma_wait3A_229, %dma_wait3A_230] : memref<4x200x64xf32, #tpu.memory_space<vmem>> -> memref<1x200x64xf32, #tpu.memory_space<vmem>>
      %dma_wait3A_232 = tpu.memref_squeeze %dma_wait3A_231 : memref<1x200x64xf32, #tpu.memory_space<vmem>> -> memref<200x64xf32, #tpu.memory_space<vmem>>
      %dma_wait3A_233 = arith.constant 0 : i32
      %dma_wait3A_234 = arith.constant 0 : i32
      %dma_wait3A_235 = tpu.memref_slice %arg4[%add3A_227, %dma_wait3A_233, %dma_wait3A_234] : memref<4096x200x128xf32, #tpu.memory_space<hbm>> -> memref<1x200x64xf32, #tpu.memory_space<hbm>>
      %dma_wait3A_236 = tpu.memref_squeeze %dma_wait3A_235 : memref<1x200x64xf32, #tpu.memory_space<hbm>> -> memref<200x64xf32, #tpu.memory_space<hbm>>
      %dma_wait3A_237 = arith.constant 0 : i32
      %dma_wait3A_238 = arith.constant 0 : i32
      %dma_wait3A_239 = tpu.memref_slice %arg7[%dma_wait3A_228, %dma_wait3A_237, %dma_wait3A_238] : memref<4x200x64xf32, #tpu.memory_space<vmem>> -> memref<1x200x64xf32, #tpu.memory_space<vmem>>
      %dma_wait3A_240 = tpu.memref_squeeze %dma_wait3A_239 : memref<1x200x64xf32, #tpu.memory_space<vmem>> -> memref<200x64xf32, #tpu.memory_space<vmem>>
      %dma_wait3A_241 = arith.constant 0 : i32
      %dma_wait3A_242 = arith.constant 0 : i32
      %dma_wait3A_243 = tpu.memref_slice %arg4[%add3A_227, %dma_wait3A_241, %dma_wait3A_242] : memref<4096x200x128xf32, #tpu.memory_space<hbm>> -> memref<1x200x64xf32, #tpu.memory_space<hbm>>
      %dma_wait3A_244 = tpu.memref_squeeze %dma_wait3A_243 : memref<1x200x64xf32, #tpu.memory_space<hbm>> -> memref<200x64xf32, #tpu.memory_space<hbm>>
      tpu.wait_dma2 semaphore(%arg9 : memref<!tpu.dma_semaphore, #tpu.memory_space<semaphore_mem>>) src(%dma_wait3A_244 : memref<200x64xf32, #tpu.memory_space<hbm>>) dst(%dma_wait3A_240 : memref<200x64xf32, #tpu.memory_space<vmem>>)
      %add3A_245 = arith.addi %mul3A_2, %add3A_226 : i32
      %dma_start3A_246 = arith.constant 1 : i32
      %dma_start3A_247 = arith.constant 0 : i32
      %dma_start3A_248 = arith.constant 0 : i32
      %dma_start3A_249 = tpu.memref_slice %arg7[%dma_start3A_246, %dma_start3A_247, %dma_start3A_248] : memref<4x200x64xf32, #tpu.memory_space<vmem>> -> memref<1x200x64xf32, #tpu.memory_space<vmem>>
      %dma_start3A_250 = tpu.memref_squeeze %dma_start3A_249 : memref<1x200x64xf32, #tpu.memory_space<vmem>> -> memref<200x64xf32, #tpu.memory_space<vmem>>
      %dma_start3A_251 = arith.constant 0 : i32
      %dma_start3A_252 = arith.constant 0 : i32
      %dma_start3A_253 = tpu.memref_slice %arg4[%add3A_245, %dma_start3A_251, %dma_start3A_252] : memref<4096x200x128xf32, #tpu.memory_space<hbm>> -> memref<1x200x64xf32, #tpu.memory_space<hbm>>
      %dma_start3A_254 = tpu.memref_squeeze %dma_start3A_253 : memref<1x200x64xf32, #tpu.memory_space<hbm>> -> memref<200x64xf32, #tpu.memory_space<hbm>>
      %dma_start3A_255 = arith.constant 0 : i32
      %dma_start3A_256 = arith.constant 0 : i32
      %dma_start3A_257 = tpu.memref_slice %arg4[%add3A_245, %dma_start3A_255, %dma_start3A_256] : memref<4096x200x128xf32, #tpu.memory_space<hbm>> -> memref<1x200x64xf32, #tpu.memory_space<hbm>>
      %dma_start3A_258 = tpu.memref_squeeze %dma_start3A_257 : memref<1x200x64xf32, #tpu.memory_space<hbm>> -> memref<200x64xf32, #tpu.memory_space<hbm>>
      %dma_start3A_259 = arith.constant 0 : i32
      %dma_start3A_260 = arith.constant 0 : i32
      %dma_start3A_261 = tpu.memref_slice %arg7[%dma_start3A_246, %dma_start3A_259, %dma_start3A_260] : memref<4x200x64xf32, #tpu.memory_space<vmem>> -> memref<1x200x64xf32, #tpu.memory_space<vmem>>
      %dma_start3A_262 = tpu.memref_squeeze %dma_start3A_261 : memref<1x200x64xf32, #tpu.memory_space<vmem>> -> memref<200x64xf32, #tpu.memory_space<vmem>>
      tpu.enqueue_dma source(%dma_start3A_262 : memref<200x64xf32, #tpu.memory_space<vmem>>) target(%dma_start3A_258 : memref<200x64xf32, #tpu.memory_space<hbm>>) target_semaphore(%arg13 : memref<!tpu.dma_semaphore, #tpu.memory_space<semaphore_mem>>)
      %add3A_263 = arith.constant 4 : i32
      %add3A_264 = arith.addi %add3A_226, %add3A_263 : i32
      %lt3A_265 = arith.constant 128 : i32
      %lt3A_266 = arith.cmpi slt, %add3A_264, %lt3A_265 : i32
      %convert_element_type3A_267 = arith.extui %lt3A_266 : i1 to i32
      %cond3A_268 = arith.constant 0 : i32
      %cond3A_269 = arith.cmpi ne, %convert_element_type3A_267, %cond3A_268 : i32
      scf.if %cond3A_269 {
        %add3A_364 = arith.addi %mul3A_2, %add3A_226 : i32
        %dma_wait3A_365 = arith.constant 1 : i32
        %dma_wait3A_366 = arith.constant 0 : i32
        %dma_wait3A_367 = arith.constant 0 : i32
        %dma_wait3A_368 = tpu.memref_slice %arg7[%dma_wait3A_365, %dma_wait3A_366, %dma_wait3A_367] : memref<4x200x64xf32, #tpu.memory_space<vmem>> -> memref<1x200x64xf32, #tpu.memory_space<vmem>>
        %dma_wait3A_369 = tpu.memref_squeeze %dma_wait3A_368 : memref<1x200x64xf32, #tpu.memory_space<vmem>> -> memref<200x64xf32, #tpu.memory_space<vmem>>
        %dma_wait3A_370 = arith.constant 0 : i32
        %dma_wait3A_371 = arith.constant 0 : i32
        %dma_wait3A_372 = tpu.memref_slice %arg4[%add3A_364, %dma_wait3A_370, %dma_wait3A_371] : memref<4096x200x128xf32, #tpu.memory_space<hbm>> -> memref<1x200x64xf32, #tpu.memory_space<hbm>>
        %dma_wait3A_373 = tpu.memref_squeeze %dma_wait3A_372 : memref<1x200x64xf32, #tpu.memory_space<hbm>> -> memref<200x64xf32, #tpu.memory_space<hbm>>
        %dma_wait3A_374 = arith.constant 0 : i32
        %dma_wait3A_375 = arith.constant 0 : i32
        %dma_wait3A_376 = tpu.memref_slice %arg4[%add3A_364, %dma_wait3A_374, %dma_wait3A_375] : memref<4096x200x128xf32, #tpu.memory_space<hbm>> -> memref<1x200x64xf32, #tpu.memory_space<hbm>>
        %dma_wait3A_377 = tpu.memref_squeeze %dma_wait3A_376 : memref<1x200x64xf32, #tpu.memory_space<hbm>> -> memref<200x64xf32, #tpu.memory_space<hbm>>
        %dma_wait3A_378 = arith.constant 0 : i32
        %dma_wait3A_379 = arith.constant 0 : i32
        %dma_wait3A_380 = tpu.memref_slice %arg7[%dma_wait3A_365, %dma_wait3A_378, %dma_wait3A_379] : memref<4x200x64xf32, #tpu.memory_space<vmem>> -> memref<1x200x64xf32, #tpu.memory_space<vmem>>
        %dma_wait3A_381 = tpu.memref_squeeze %dma_wait3A_380 : memref<1x200x64xf32, #tpu.memory_space<vmem>> -> memref<200x64xf32, #tpu.memory_space<vmem>>
        tpu.wait_dma2 semaphore(%arg13 : memref<!tpu.dma_semaphore, #tpu.memory_space<semaphore_mem>>) src(%dma_wait3A_381 : memref<200x64xf32, #tpu.memory_space<vmem>>) dst(%dma_wait3A_377 : memref<200x64xf32, #tpu.memory_space<hbm>>)
        %add3A_382 = arith.constant 4 : i32
        %add3A_383 = arith.addi %add3A_226, %add3A_382 : i32
        %dma_start3A_384 = arith.constant 1 : i32
        %dma_start3A_385 = arith.constant 0 : i32
        %dma_start3A_386 = arith.constant 0 : i32
        %dma_start3A_387 = tpu.memref_slice %arg7[%dma_start3A_384, %dma_start3A_385, %dma_start3A_386] : memref<4x200x64xf32, #tpu.memory_space<vmem>> -> memref<1x128x64xf32, #tpu.memory_space<vmem>>
        %dma_start3A_388 = tpu.memref_squeeze %dma_start3A_387 : memref<1x128x64xf32, #tpu.memory_space<vmem>> -> memref<128x64xf32, #tpu.memory_space<vmem>>
        %dma_start3A_389 = arith.constant 0 : i32
        %dma_start3A_390 = tpu.memref_slice %arg5[%add3A_383, %dma_start3A_389] : memref<128x128xi32, #tpu.memory_space<vmem>> -> memref<1x128xi32, #tpu.memory_space<vmem>>
        %dma_start3A_391 = tpu.memref_squeeze %dma_start3A_390 : memref<1x128xi32, #tpu.memory_space<vmem>> -> memref<128xi32, #tpu.memory_space<vmem>>
        %dma_start3A_392 = arith.constant 0 : i32
        %dma_start3A_393 = arith.constant 0 : i32
        %dma_start3A_394 = tpu.memref_slice %arg3[%dma_start3A_392, %dma_start3A_393] : memref<1000000x64xf32, #tpu.memory_space<hbm>> -> memref<1000000x64xf32, #tpu.memory_space<hbm>>
        tpu.enqueue_indirect_dma source(%dma_start3A_394 : memref<1000000x64xf32, #tpu.memory_space<hbm>>) target(%dma_start3A_388 : memref<128x64xf32, #tpu.memory_space<vmem>>) offsets(%dma_start3A_391 : memref<128xi32, #tpu.memory_space<vmem>>) semaphore(%arg9 : memref<!tpu.dma_semaphore, #tpu.memory_space<semaphore_mem>>)
        %dma_start3A_395 = arith.constant 1 : i32
        %dma_start3A_396 = arith.constant 128 : i32
        %dma_start3A_397 = arith.constant 0 : i32
        %dma_start3A_398 = tpu.memref_slice %arg7[%dma_start3A_395, %dma_start3A_396, %dma_start3A_397] : memref<4x200x64xf32, #tpu.memory_space<vmem>> -> memref<1x72x64xf32, #tpu.memory_space<vmem>>
        %dma_start3A_399 = tpu.memref_squeeze %dma_start3A_398 : memref<1x72x64xf32, #tpu.memory_space<vmem>> -> memref<72x64xf32, #tpu.memory_space<vmem>>
        %dma_start3A_400 = arith.constant 0 : i32
        %dma_start3A_401 = tpu.memref_slice %arg6[%add3A_383, %dma_start3A_400] : memref<128x72xi32, #tpu.memory_space<vmem>> -> memref<1x72xi32, #tpu.memory_space<vmem>>
        %dma_start3A_402 = tpu.memref_squeeze %dma_start3A_401 : memref<1x72xi32, #tpu.memory_space<vmem>> -> memref<72xi32, #tpu.memory_space<vmem>>
        %dma_start3A_403 = arith.constant 0 : i32
        %dma_start3A_404 = arith.constant 0 : i32
        %dma_start3A_405 = tpu.memref_slice %arg3[%dma_start3A_403, %dma_start3A_404] : memref<1000000x64xf32, #tpu.memory_space<hbm>> -> memref<1000000x64xf32, #tpu.memory_space<hbm>>
        tpu.enqueue_indirect_dma source(%dma_start3A_405 : memref<1000000x64xf32, #tpu.memory_space<hbm>>) target(%dma_start3A_399 : memref<72x64xf32, #tpu.memory_space<vmem>>) offsets(%dma_start3A_402 : memref<72xi32, #tpu.memory_space<vmem>>) semaphore(%arg9 : memref<!tpu.dma_semaphore, #tpu.memory_space<semaphore_mem>>)
      } else {
      }
      %mul3A_270 = arith.constant 4 : i32
      %mul3A_271 = arith.muli %scan3A_178, %mul3A_270 : i32
      %add3A_272 = arith.constant 2 : i32
      %add3A_273 = arith.addi %mul3A_271, %add3A_272 : i32
      %add3A_274 = arith.addi %mul3A_2, %add3A_273 : i32
      %dma_wait3A_275 = arith.constant 2 : i32
      %dma_wait3A_276 = arith.constant 0 : i32
      %dma_wait3A_277 = arith.constant 0 : i32
      %dma_wait3A_278 = tpu.memref_slice %arg7[%dma_wait3A_275, %dma_wait3A_276, %dma_wait3A_277] : memref<4x200x64xf32, #tpu.memory_space<vmem>> -> memref<1x200x64xf32, #tpu.memory_space<vmem>>
      %dma_wait3A_279 = tpu.memref_squeeze %dma_wait3A_278 : memref<1x200x64xf32, #tpu.memory_space<vmem>> -> memref<200x64xf32, #tpu.memory_space<vmem>>
      %dma_wait3A_280 = arith.constant 0 : i32
      %dma_wait3A_281 = arith.constant 0 : i32
      %dma_wait3A_282 = tpu.memref_slice %arg4[%add3A_274, %dma_wait3A_280, %dma_wait3A_281] : memref<4096x200x128xf32, #tpu.memory_space<hbm>> -> memref<1x200x64xf32, #tpu.memory_space<hbm>>
      %dma_wait3A_283 = tpu.memref_squeeze %dma_wait3A_282 : memref<1x200x64xf32, #tpu.memory_space<hbm>> -> memref<200x64xf32, #tpu.memory_space<hbm>>
      %dma_wait3A_284 = arith.constant 0 : i32
      %dma_wait3A_285 = arith.constant 0 : i32
      %dma_wait3A_286 = tpu.memref_slice %arg7[%dma_wait3A_275, %dma_wait3A_284, %dma_wait3A_285] : memref<4x200x64xf32, #tpu.memory_space<vmem>> -> memref<1x200x64xf32, #tpu.memory_space<vmem>>
      %dma_wait3A_287 = tpu.memref_squeeze %dma_wait3A_286 : memref<1x200x64xf32, #tpu.memory_space<vmem>> -> memref<200x64xf32, #tpu.memory_space<vmem>>
      %dma_wait3A_288 = arith.constant 0 : i32
      %dma_wait3A_289 = arith.constant 0 : i32
      %dma_wait3A_290 = tpu.memref_slice %arg4[%add3A_274, %dma_wait3A_288, %dma_wait3A_289] : memref<4096x200x128xf32, #tpu.memory_space<hbm>> -> memref<1x200x64xf32, #tpu.memory_space<hbm>>
      %dma_wait3A_291 = tpu.memref_squeeze %dma_wait3A_290 : memref<1x200x64xf32, #tpu.memory_space<hbm>> -> memref<200x64xf32, #tpu.memory_space<hbm>>
      tpu.wait_dma2 semaphore(%arg10 : memref<!tpu.dma_semaphore, #tpu.memory_space<semaphore_mem>>) src(%dma_wait3A_291 : memref<200x64xf32, #tpu.memory_space<hbm>>) dst(%dma_wait3A_287 : memref<200x64xf32, #tpu.memory_space<vmem>>)
      %add3A_292 = arith.addi %mul3A_2, %add3A_273 : i32
      %dma_start3A_293 = arith.constant 2 : i32
      %dma_start3A_294 = arith.constant 0 : i32
      %dma_start3A_295 = arith.constant 0 : i32
      %dma_start3A_296 = tpu.memref_slice %arg7[%dma_start3A_293, %dma_start3A_294, %dma_start3A_295] : memref<4x200x64xf32, #tpu.memory_space<vmem>> -> memref<1x200x64xf32, #tpu.memory_space<vmem>>
      %dma_start3A_297 = tpu.memref_squeeze %dma_start3A_296 : memref<1x200x64xf32, #tpu.memory_space<vmem>> -> memref<200x64xf32, #tpu.memory_space<vmem>>
      %dma_start3A_298 = arith.constant 0 : i32
      %dma_start3A_299 = arith.constant 0 : i32
      %dma_start3A_300 = tpu.memref_slice %arg4[%add3A_292, %dma_start3A_298, %dma_start3A_299] : memref<4096x200x128xf32, #tpu.memory_space<hbm>> -> memref<1x200x64xf32, #tpu.memory_space<hbm>>
      %dma_start3A_301 = tpu.memref_squeeze %dma_start3A_300 : memref<1x200x64xf32, #tpu.memory_space<hbm>> -> memref<200x64xf32, #tpu.memory_space<hbm>>
      %dma_start3A_302 = arith.constant 0 : i32
      %dma_start3A_303 = arith.constant 0 : i32
      %dma_start3A_304 = tpu.memref_slice %arg4[%add3A_292, %dma_start3A_302, %dma_start3A_303] : memref<4096x200x128xf32, #tpu.memory_space<hbm>> -> memref<1x200x64xf32, #tpu.memory_space<hbm>>
      %dma_start3A_305 = tpu.memref_squeeze %dma_start3A_304 : memref<1x200x64xf32, #tpu.memory_space<hbm>> -> memref<200x64xf32, #tpu.memory_space<hbm>>
      %dma_start3A_306 = arith.constant 0 : i32
      %dma_start3A_307 = arith.constant 0 : i32
      %dma_start3A_308 = tpu.memref_slice %arg7[%dma_start3A_293, %dma_start3A_306, %dma_start3A_307] : memref<4x200x64xf32, #tpu.memory_space<vmem>> -> memref<1x200x64xf32, #tpu.memory_space<vmem>>
      %dma_start3A_309 = tpu.memref_squeeze %dma_start3A_308 : memref<1x200x64xf32, #tpu.memory_space<vmem>> -> memref<200x64xf32, #tpu.memory_space<vmem>>
      tpu.enqueue_dma source(%dma_start3A_309 : memref<200x64xf32, #tpu.memory_space<vmem>>) target(%dma_start3A_305 : memref<200x64xf32, #tpu.memory_space<hbm>>) target_semaphore(%arg14 : memref<!tpu.dma_semaphore, #tpu.memory_space<semaphore_mem>>)
      %add3A_310 = arith.constant 4 : i32
      %add3A_311 = arith.addi %add3A_273, %add3A_310 : i32
      %lt3A_312 = arith.constant 128 : i32
      %lt3A_313 = arith.cmpi slt, %add3A_311, %lt3A_312 : i32
      %convert_element_type3A_314 = arith.extui %lt3A_313 : i1 to i32
      %cond3A_315 = arith.constant 0 : i32
      %cond3A_316 = arith.cmpi ne, %convert_element_type3A_314, %cond3A_315 : i32
      scf.if %cond3A_316 {
        %add3A_364 = arith.addi %mul3A_2, %add3A_273 : i32
        %dma_wait3A_365 = arith.constant 2 : i32
        %dma_wait3A_366 = arith.constant 0 : i32
        %dma_wait3A_367 = arith.constant 0 : i32
        %dma_wait3A_368 = tpu.memref_slice %arg7[%dma_wait3A_365, %dma_wait3A_366, %dma_wait3A_367] : memref<4x200x64xf32, #tpu.memory_space<vmem>> -> memref<1x200x64xf32, #tpu.memory_space<vmem>>
        %dma_wait3A_369 = tpu.memref_squeeze %dma_wait3A_368 : memref<1x200x64xf32, #tpu.memory_space<vmem>> -> memref<200x64xf32, #tpu.memory_space<vmem>>
        %dma_wait3A_370 = arith.constant 0 : i32
        %dma_wait3A_371 = arith.constant 0 : i32
        %dma_wait3A_372 = tpu.memref_slice %arg4[%add3A_364, %dma_wait3A_370, %dma_wait3A_371] : memref<4096x200x128xf32, #tpu.memory_space<hbm>> -> memref<1x200x64xf32, #tpu.memory_space<hbm>>
        %dma_wait3A_373 = tpu.memref_squeeze %dma_wait3A_372 : memref<1x200x64xf32, #tpu.memory_space<hbm>> -> memref<200x64xf32, #tpu.memory_space<hbm>>
        %dma_wait3A_374 = arith.constant 0 : i32
        %dma_wait3A_375 = arith.constant 0 : i32
        %dma_wait3A_376 = tpu.memref_slice %arg4[%add3A_364, %dma_wait3A_374, %dma_wait3A_375] : memref<4096x200x128xf32, #tpu.memory_space<hbm>> -> memref<1x200x64xf32, #tpu.memory_space<hbm>>
        %dma_wait3A_377 = tpu.memref_squeeze %dma_wait3A_376 : memref<1x200x64xf32, #tpu.memory_space<hbm>> -> memref<200x64xf32, #tpu.memory_space<hbm>>
        %dma_wait3A_378 = arith.constant 0 : i32
        %dma_wait3A_379 = arith.constant 0 : i32
        %dma_wait3A_380 = tpu.memref_slice %arg7[%dma_wait3A_365, %dma_wait3A_378, %dma_wait3A_379] : memref<4x200x64xf32, #tpu.memory_space<vmem>> -> memref<1x200x64xf32, #tpu.memory_space<vmem>>
        %dma_wait3A_381 = tpu.memref_squeeze %dma_wait3A_380 : memref<1x200x64xf32, #tpu.memory_space<vmem>> -> memref<200x64xf32, #tpu.memory_space<vmem>>
        tpu.wait_dma2 semaphore(%arg14 : memref<!tpu.dma_semaphore, #tpu.memory_space<semaphore_mem>>) src(%dma_wait3A_381 : memref<200x64xf32, #tpu.memory_space<vmem>>) dst(%dma_wait3A_377 : memref<200x64xf32, #tpu.memory_space<hbm>>)
        %add3A_382 = arith.constant 4 : i32
        %add3A_383 = arith.addi %add3A_273, %add3A_382 : i32
        %dma_start3A_384 = arith.constant 2 : i32
        %dma_start3A_385 = arith.constant 0 : i32
        %dma_start3A_386 = arith.constant 0 : i32
        %dma_start3A_387 = tpu.memref_slice %arg7[%dma_start3A_384, %dma_start3A_385, %dma_start3A_386] : memref<4x200x64xf32, #tpu.memory_space<vmem>> -> memref<1x128x64xf32, #tpu.memory_space<vmem>>
        %dma_start3A_388 = tpu.memref_squeeze %dma_start3A_387 : memref<1x128x64xf32, #tpu.memory_space<vmem>> -> memref<128x64xf32, #tpu.memory_space<vmem>>
        %dma_start3A_389 = arith.constant 0 : i32
        %dma_start3A_390 = tpu.memref_slice %arg5[%add3A_383, %dma_start3A_389] : memref<128x128xi32, #tpu.memory_space<vmem>> -> memref<1x128xi32, #tpu.memory_space<vmem>>
        %dma_start3A_391 = tpu.memref_squeeze %dma_start3A_390 : memref<1x128xi32, #tpu.memory_space<vmem>> -> memref<128xi32, #tpu.memory_space<vmem>>
        %dma_start3A_392 = arith.constant 0 : i32
        %dma_start3A_393 = arith.constant 0 : i32
        %dma_start3A_394 = tpu.memref_slice %arg3[%dma_start3A_392, %dma_start3A_393] : memref<1000000x64xf32, #tpu.memory_space<hbm>> -> memref<1000000x64xf32, #tpu.memory_space<hbm>>
        tpu.enqueue_indirect_dma source(%dma_start3A_394 : memref<1000000x64xf32, #tpu.memory_space<hbm>>) target(%dma_start3A_388 : memref<128x64xf32, #tpu.memory_space<vmem>>) offsets(%dma_start3A_391 : memref<128xi32, #tpu.memory_space<vmem>>) semaphore(%arg10 : memref<!tpu.dma_semaphore, #tpu.memory_space<semaphore_mem>>)
        %dma_start3A_395 = arith.constant 2 : i32
        %dma_start3A_396 = arith.constant 128 : i32
        %dma_start3A_397 = arith.constant 0 : i32
        %dma_start3A_398 = tpu.memref_slice %arg7[%dma_start3A_395, %dma_start3A_396, %dma_start3A_397] : memref<4x200x64xf32, #tpu.memory_space<vmem>> -> memref<1x72x64xf32, #tpu.memory_space<vmem>>
        %dma_start3A_399 = tpu.memref_squeeze %dma_start3A_398 : memref<1x72x64xf32, #tpu.memory_space<vmem>> -> memref<72x64xf32, #tpu.memory_space<vmem>>
        %dma_start3A_400 = arith.constant 0 : i32
        %dma_start3A_401 = tpu.memref_slice %arg6[%add3A_383, %dma_start3A_400] : memref<128x72xi32, #tpu.memory_space<vmem>> -> memref<1x72xi32, #tpu.memory_space<vmem>>
        %dma_start3A_402 = tpu.memref_squeeze %dma_start3A_401 : memref<1x72xi32, #tpu.memory_space<vmem>> -> memref<72xi32, #tpu.memory_space<vmem>>
        %dma_start3A_403 = arith.constant 0 : i32
        %dma_start3A_404 = arith.constant 0 : i32
        %dma_start3A_405 = tpu.memref_slice %arg3[%dma_start3A_403, %dma_start3A_404] : memref<1000000x64xf32, #tpu.memory_space<hbm>> -> memref<1000000x64xf32, #tpu.memory_space<hbm>>
        tpu.enqueue_indirect_dma source(%dma_start3A_405 : memref<1000000x64xf32, #tpu.memory_space<hbm>>) target(%dma_start3A_399 : memref<72x64xf32, #tpu.memory_space<vmem>>) offsets(%dma_start3A_402 : memref<72xi32, #tpu.memory_space<vmem>>) semaphore(%arg10 : memref<!tpu.dma_semaphore, #tpu.memory_space<semaphore_mem>>)
      } else {
      }
      %mul3A_317 = arith.constant 4 : i32
      %mul3A_318 = arith.muli %scan3A_178, %mul3A_317 : i32
      %add3A_319 = arith.constant 3 : i32
      %add3A_320 = arith.addi %mul3A_318, %add3A_319 : i32
      %add3A_321 = arith.addi %mul3A_2, %add3A_320 : i32
      %dma_wait3A_322 = arith.constant 3 : i32
      %dma_wait3A_323 = arith.constant 0 : i32
      %dma_wait3A_324 = arith.constant 0 : i32
      %dma_wait3A_325 = tpu.memref_slice %arg7[%dma_wait3A_322, %dma_wait3A_323, %dma_wait3A_324] : memref<4x200x64xf32, #tpu.memory_space<vmem>> -> memref<1x200x64xf32, #tpu.memory_space<vmem>>
      %dma_wait3A_326 = tpu.memref_squeeze %dma_wait3A_325 : memref<1x200x64xf32, #tpu.memory_space<vmem>> -> memref<200x64xf32, #tpu.memory_space<vmem>>
      %dma_wait3A_327 = arith.constant 0 : i32
      %dma_wait3A_328 = arith.constant 0 : i32
      %dma_wait3A_329 = tpu.memref_slice %arg4[%add3A_321, %dma_wait3A_327, %dma_wait3A_328] : memref<4096x200x128xf32, #tpu.memory_space<hbm>> -> memref<1x200x64xf32, #tpu.memory_space<hbm>>
      %dma_wait3A_330 = tpu.memref_squeeze %dma_wait3A_329 : memref<1x200x64xf32, #tpu.memory_space<hbm>> -> memref<200x64xf32, #tpu.memory_space<hbm>>
      %dma_wait3A_331 = arith.constant 0 : i32
      %dma_wait3A_332 = arith.constant 0 : i32
      %dma_wait3A_333 = tpu.memref_slice %arg7[%dma_wait3A_322, %dma_wait3A_331, %dma_wait3A_332] : memref<4x200x64xf32, #tpu.memory_space<vmem>> -> memref<1x200x64xf32, #tpu.memory_space<vmem>>
      %dma_wait3A_334 = tpu.memref_squeeze %dma_wait3A_333 : memref<1x200x64xf32, #tpu.memory_space<vmem>> -> memref<200x64xf32, #tpu.memory_space<vmem>>
      %dma_wait3A_335 = arith.constant 0 : i32
      %dma_wait3A_336 = arith.constant 0 : i32
      %dma_wait3A_337 = tpu.memref_slice %arg4[%add3A_321, %dma_wait3A_335, %dma_wait3A_336] : memref<4096x200x128xf32, #tpu.memory_space<hbm>> -> memref<1x200x64xf32, #tpu.memory_space<hbm>>
      %dma_wait3A_338 = tpu.memref_squeeze %dma_wait3A_337 : memref<1x200x64xf32, #tpu.memory_space<hbm>> -> memref<200x64xf32, #tpu.memory_space<hbm>>
      tpu.wait_dma2 semaphore(%arg11 : memref<!tpu.dma_semaphore, #tpu.memory_space<semaphore_mem>>) src(%dma_wait3A_338 : memref<200x64xf32, #tpu.memory_space<hbm>>) dst(%dma_wait3A_334 : memref<200x64xf32, #tpu.memory_space<vmem>>)
      %add3A_339 = arith.addi %mul3A_2, %add3A_320 : i32
      %dma_start3A_340 = arith.constant 3 : i32
      %dma_start3A_341 = arith.constant 0 : i32
      %dma_start3A_342 = arith.constant 0 : i32
      %dma_start3A_343 = tpu.memref_slice %arg7[%dma_start3A_340, %dma_start3A_341, %dma_start3A_342] : memref<4x200x64xf32, #tpu.memory_space<vmem>> -> memref<1x200x64xf32, #tpu.memory_space<vmem>>
      %dma_start3A_344 = tpu.memref_squeeze %dma_start3A_343 : memref<1x200x64xf32, #tpu.memory_space<vmem>> -> memref<200x64xf32, #tpu.memory_space<vmem>>
      %dma_start3A_345 = arith.constant 0 : i32
      %dma_start3A_346 = arith.constant 0 : i32
      %dma_start3A_347 = tpu.memref_slice %arg4[%add3A_339, %dma_start3A_345, %dma_start3A_346] : memref<4096x200x128xf32, #tpu.memory_space<hbm>> -> memref<1x200x64xf32, #tpu.memory_space<hbm>>
      %dma_start3A_348 = tpu.memref_squeeze %dma_start3A_347 : memref<1x200x64xf32, #tpu.memory_space<hbm>> -> memref<200x64xf32, #tpu.memory_space<hbm>>
      %dma_start3A_349 = arith.constant 0 : i32
      %dma_start3A_350 = arith.constant 0 : i32
      %dma_start3A_351 = tpu.memref_slice %arg4[%add3A_339, %dma_start3A_349, %dma_start3A_350] : memref<4096x200x128xf32, #tpu.memory_space<hbm>> -> memref<1x200x64xf32, #tpu.memory_space<hbm>>
      %dma_start3A_352 = tpu.memref_squeeze %dma_start3A_351 : memref<1x200x64xf32, #tpu.memory_space<hbm>> -> memref<200x64xf32, #tpu.memory_space<hbm>>
      %dma_start3A_353 = arith.constant 0 : i32
      %dma_start3A_354 = arith.constant 0 : i32
      %dma_start3A_355 = tpu.memref_slice %arg7[%dma_start3A_340, %dma_start3A_353, %dma_start3A_354] : memref<4x200x64xf32, #tpu.memory_space<vmem>> -> memref<1x200x64xf32, #tpu.memory_space<vmem>>
      %dma_start3A_356 = tpu.memref_squeeze %dma_start3A_355 : memref<1x200x64xf32, #tpu.memory_space<vmem>> -> memref<200x64xf32, #tpu.memory_space<vmem>>
      tpu.enqueue_dma source(%dma_start3A_356 : memref<200x64xf32, #tpu.memory_space<vmem>>) target(%dma_start3A_352 : memref<200x64xf32, #tpu.memory_space<hbm>>) target_semaphore(%arg15 : memref<!tpu.dma_semaphore, #tpu.memory_space<semaphore_mem>>)
      %add3A_357 = arith.constant 4 : i32
      %add3A_358 = arith.addi %add3A_320, %add3A_357 : i32
      %lt3A_359 = arith.constant 128 : i32
      %lt3A_360 = arith.cmpi slt, %add3A_358, %lt3A_359 : i32
      %convert_element_type3A_361 = arith.extui %lt3A_360 : i1 to i32
      %cond3A_362 = arith.constant 0 : i32
      %cond3A_363 = arith.cmpi ne, %convert_element_type3A_361, %cond3A_362 : i32
      scf.if %cond3A_363 {
        %add3A_364 = arith.addi %mul3A_2, %add3A_320 : i32
        %dma_wait3A_365 = arith.constant 3 : i32
        %dma_wait3A_366 = arith.constant 0 : i32
        %dma_wait3A_367 = arith.constant 0 : i32
        %dma_wait3A_368 = tpu.memref_slice %arg7[%dma_wait3A_365, %dma_wait3A_366, %dma_wait3A_367] : memref<4x200x64xf32, #tpu.memory_space<vmem>> -> memref<1x200x64xf32, #tpu.memory_space<vmem>>
        %dma_wait3A_369 = tpu.memref_squeeze %dma_wait3A_368 : memref<1x200x64xf32, #tpu.memory_space<vmem>> -> memref<200x64xf32, #tpu.memory_space<vmem>>
        %dma_wait3A_370 = arith.constant 0 : i32
        %dma_wait3A_371 = arith.constant 0 : i32
        %dma_wait3A_372 = tpu.memref_slice %arg4[%add3A_364, %dma_wait3A_370, %dma_wait3A_371] : memref<4096x200x128xf32, #tpu.memory_space<hbm>> -> memref<1x200x64xf32, #tpu.memory_space<hbm>>
        %dma_wait3A_373 = tpu.memref_squeeze %dma_wait3A_372 : memref<1x200x64xf32, #tpu.memory_space<hbm>> -> memref<200x64xf32, #tpu.memory_space<hbm>>
        %dma_wait3A_374 = arith.constant 0 : i32
        %dma_wait3A_375 = arith.constant 0 : i32
        %dma_wait3A_376 = tpu.memref_slice %arg4[%add3A_364, %dma_wait3A_374, %dma_wait3A_375] : memref<4096x200x128xf32, #tpu.memory_space<hbm>> -> memref<1x200x64xf32, #tpu.memory_space<hbm>>
        %dma_wait3A_377 = tpu.memref_squeeze %dma_wait3A_376 : memref<1x200x64xf32, #tpu.memory_space<hbm>> -> memref<200x64xf32, #tpu.memory_space<hbm>>
        %dma_wait3A_378 = arith.constant 0 : i32
        %dma_wait3A_379 = arith.constant 0 : i32
        %dma_wait3A_380 = tpu.memref_slice %arg7[%dma_wait3A_365, %dma_wait3A_378, %dma_wait3A_379] : memref<4x200x64xf32, #tpu.memory_space<vmem>> -> memref<1x200x64xf32, #tpu.memory_space<vmem>>
        %dma_wait3A_381 = tpu.memref_squeeze %dma_wait3A_380 : memref<1x200x64xf32, #tpu.memory_space<vmem>> -> memref<200x64xf32, #tpu.memory_space<vmem>>
        tpu.wait_dma2 semaphore(%arg15 : memref<!tpu.dma_semaphore, #tpu.memory_space<semaphore_mem>>) src(%dma_wait3A_381 : memref<200x64xf32, #tpu.memory_space<vmem>>) dst(%dma_wait3A_377 : memref<200x64xf32, #tpu.memory_space<hbm>>)
        %add3A_382 = arith.constant 4 : i32
        %add3A_383 = arith.addi %add3A_320, %add3A_382 : i32
        %dma_start3A_384 = arith.constant 3 : i32
        %dma_start3A_385 = arith.constant 0 : i32
        %dma_start3A_386 = arith.constant 0 : i32
        %dma_start3A_387 = tpu.memref_slice %arg7[%dma_start3A_384, %dma_start3A_385, %dma_start3A_386] : memref<4x200x64xf32, #tpu.memory_space<vmem>> -> memref<1x128x64xf32, #tpu.memory_space<vmem>>
        %dma_start3A_388 = tpu.memref_squeeze %dma_start3A_387 : memref<1x128x64xf32, #tpu.memory_space<vmem>> -> memref<128x64xf32, #tpu.memory_space<vmem>>
        %dma_start3A_389 = arith.constant 0 : i32
        %dma_start3A_390 = tpu.memref_slice %arg5[%add3A_383, %dma_start3A_389] : memref<128x128xi32, #tpu.memory_space<vmem>> -> memref<1x128xi32, #tpu.memory_space<vmem>>
        %dma_start3A_391 = tpu.memref_squeeze %dma_start3A_390 : memref<1x128xi32, #tpu.memory_space<vmem>> -> memref<128xi32, #tpu.memory_space<vmem>>
        %dma_start3A_392 = arith.constant 0 : i32
        %dma_start3A_393 = arith.constant 0 : i32
        %dma_start3A_394 = tpu.memref_slice %arg3[%dma_start3A_392, %dma_start3A_393] : memref<1000000x64xf32, #tpu.memory_space<hbm>> -> memref<1000000x64xf32, #tpu.memory_space<hbm>>
        tpu.enqueue_indirect_dma source(%dma_start3A_394 : memref<1000000x64xf32, #tpu.memory_space<hbm>>) target(%dma_start3A_388 : memref<128x64xf32, #tpu.memory_space<vmem>>) offsets(%dma_start3A_391 : memref<128xi32, #tpu.memory_space<vmem>>) semaphore(%arg11 : memref<!tpu.dma_semaphore, #tpu.memory_space<semaphore_mem>>)
        %dma_start3A_395 = arith.constant 3 : i32
        %dma_start3A_396 = arith.constant 128 : i32
        %dma_start3A_397 = arith.constant 0 : i32
        %dma_start3A_398 = tpu.memref_slice %arg7[%dma_start3A_395, %dma_start3A_396, %dma_start3A_397] : memref<4x200x64xf32, #tpu.memory_space<vmem>> -> memref<1x72x64xf32, #tpu.memory_space<vmem>>
        %dma_start3A_399 = tpu.memref_squeeze %dma_start3A_398 : memref<1x72x64xf32, #tpu.memory_space<vmem>> -> memref<72x64xf32, #tpu.memory_space<vmem>>
        %dma_start3A_400 = arith.constant 0 : i32
        %dma_start3A_401 = tpu.memref_slice %arg6[%add3A_383, %dma_start3A_400] : memref<128x72xi32, #tpu.memory_space<vmem>> -> memref<1x72xi32, #tpu.memory_space<vmem>>
        %dma_start3A_402 = tpu.memref_squeeze %dma_start3A_401 : memref<1x72xi32, #tpu.memory_space<vmem>> -> memref<72xi32, #tpu.memory_space<vmem>>
        %dma_start3A_403 = arith.constant 0 : i32
        %dma_start3A_404 = arith.constant 0 : i32
        %dma_start3A_405 = tpu.memref_slice %arg3[%dma_start3A_403, %dma_start3A_404] : memref<1000000x64xf32, #tpu.memory_space<hbm>> -> memref<1000000x64xf32, #tpu.memory_space<hbm>>
        tpu.enqueue_indirect_dma source(%dma_start3A_405 : memref<1000000x64xf32, #tpu.memory_space<hbm>>) target(%dma_start3A_399 : memref<72x64xf32, #tpu.memory_space<vmem>>) offsets(%dma_start3A_402 : memref<72xi32, #tpu.memory_space<vmem>>) semaphore(%arg11 : memref<!tpu.dma_semaphore, #tpu.memory_space<semaphore_mem>>)
      } else {
      }
    }
    %scan3A_102 = arith.constant 32 : i32
    %add3A_103 = arith.constant 124 : i32
    %add3A_104 = arith.addi %mul3A_2, %add3A_103 : i32
    %dma_wait3A = arith.constant 0 : i32
    %dma_wait3A_105 = arith.constant 0 : i32
    %dma_wait3A_106 = arith.constant 0 : i32
    %dma_wait3A_107 = tpu.memref_slice %arg7[%dma_wait3A, %dma_wait3A_105, %dma_wait3A_106] : memref<4x200x64xf32, #tpu.memory_space<vmem>> -> memref<1x200x64xf32, #tpu.memory_space<vmem>>
    %dma_wait3A_108 = tpu.memref_squeeze %dma_wait3A_107 : memref<1x200x64xf32, #tpu.memory_space<vmem>> -> memref<200x64xf32, #tpu.memory_space<vmem>>
    %dma_wait3A_109 = arith.constant 0 : i32
    %dma_wait3A_110 = arith.constant 0 : i32
    %dma_wait3A_111 = tpu.memref_slice %arg4[%add3A_104, %dma_wait3A_109, %dma_wait3A_110] : memref<4096x200x128xf32, #tpu.memory_space<hbm>> -> memref<1x200x64xf32, #tpu.memory_space<hbm>>
    %dma_wait3A_112 = tpu.memref_squeeze %dma_wait3A_111 : memref<1x200x64xf32, #tpu.memory_space<hbm>> -> memref<200x64xf32, #tpu.memory_space<hbm>>
    %dma_wait3A_113 = arith.constant 0 : i32
    %dma_wait3A_114 = arith.constant 0 : i32
    %dma_wait3A_115 = tpu.memref_slice %arg4[%add3A_104, %dma_wait3A_113, %dma_wait3A_114] : memref<4096x200x128xf32, #tpu.memory_space<hbm>> -> memref<1x200x64xf32, #tpu.memory_space<hbm>>
    %dma_wait3A_116 = tpu.memref_squeeze %dma_wait3A_115 : memref<1x200x64xf32, #tpu.memory_space<hbm>> -> memref<200x64xf32, #tpu.memory_space<hbm>>
    %dma_wait3A_117 = arith.constant 0 : i32
    %dma_wait3A_118 = arith.constant 0 : i32
    %dma_wait3A_119 = tpu.memref_slice %arg7[%dma_wait3A, %dma_wait3A_117, %dma_wait3A_118] : memref<4x200x64xf32, #tpu.memory_space<vmem>> -> memref<1x200x64xf32, #tpu.memory_space<vmem>>
    %dma_wait3A_120 = tpu.memref_squeeze %dma_wait3A_119 : memref<1x200x64xf32, #tpu.memory_space<vmem>> -> memref<200x64xf32, #tpu.memory_space<vmem>>
    tpu.wait_dma2 semaphore(%arg12 : memref<!tpu.dma_semaphore, #tpu.memory_space<semaphore_mem>>) src(%dma_wait3A_120 : memref<200x64xf32, #tpu.memory_space<vmem>>) dst(%dma_wait3A_116 : memref<200x64xf32, #tpu.memory_space<hbm>>)
    %add3A_121 = arith.constant 125 : i32
    %add3A_122 = arith.addi %mul3A_2, %add3A_121 : i32
    %dma_wait3A_123 = arith.constant 1 : i32
    %dma_wait3A_124 = arith.constant 0 : i32
    %dma_wait3A_125 = arith.constant 0 : i32
    %dma_wait3A_126 = tpu.memref_slice %arg7[%dma_wait3A_123, %dma_wait3A_124, %dma_wait3A_125] : memref<4x200x64xf32, #tpu.memory_space<vmem>> -> memref<1x200x64xf32, #tpu.memory_space<vmem>>
    %dma_wait3A_127 = tpu.memref_squeeze %dma_wait3A_126 : memref<1x200x64xf32, #tpu.memory_space<vmem>> -> memref<200x64xf32, #tpu.memory_space<vmem>>
    %dma_wait3A_128 = arith.constant 0 : i32
    %dma_wait3A_129 = arith.constant 0 : i32
    %dma_wait3A_130 = tpu.memref_slice %arg4[%add3A_122, %dma_wait3A_128, %dma_wait3A_129] : memref<4096x200x128xf32, #tpu.memory_space<hbm>> -> memref<1x200x64xf32, #tpu.memory_space<hbm>>
    %dma_wait3A_131 = tpu.memref_squeeze %dma_wait3A_130 : memref<1x200x64xf32, #tpu.memory_space<hbm>> -> memref<200x64xf32, #tpu.memory_space<hbm>>
    %dma_wait3A_132 = arith.constant 0 : i32
    %dma_wait3A_133 = arith.constant 0 : i32
    %dma_wait3A_134 = tpu.memref_slice %arg4[%add3A_122, %dma_wait3A_132, %dma_wait3A_133] : memref<4096x200x128xf32, #tpu.memory_space<hbm>> -> memref<1x200x64xf32, #tpu.memory_space<hbm>>
    %dma_wait3A_135 = tpu.memref_squeeze %dma_wait3A_134 : memref<1x200x64xf32, #tpu.memory_space<hbm>> -> memref<200x64xf32, #tpu.memory_space<hbm>>
    %dma_wait3A_136 = arith.constant 0 : i32
    %dma_wait3A_137 = arith.constant 0 : i32
    %dma_wait3A_138 = tpu.memref_slice %arg7[%dma_wait3A_123, %dma_wait3A_136, %dma_wait3A_137] : memref<4x200x64xf32, #tpu.memory_space<vmem>> -> memref<1x200x64xf32, #tpu.memory_space<vmem>>
    %dma_wait3A_139 = tpu.memref_squeeze %dma_wait3A_138 : memref<1x200x64xf32, #tpu.memory_space<vmem>> -> memref<200x64xf32, #tpu.memory_space<vmem>>
    tpu.wait_dma2 semaphore(%arg13 : memref<!tpu.dma_semaphore, #tpu.memory_space<semaphore_mem>>) src(%dma_wait3A_139 : memref<200x64xf32, #tpu.memory_space<vmem>>) dst(%dma_wait3A_135 : memref<200x64xf32, #tpu.memory_space<hbm>>)
    %add3A_140 = arith.constant 126 : i32
    %add3A_141 = arith.addi %mul3A_2, %add3A_140 : i32
    %dma_wait3A_142 = arith.constant 2 : i32
    %dma_wait3A_143 = arith.constant 0 : i32
    %dma_wait3A_144 = arith.constant 0 : i32
    %dma_wait3A_145 = tpu.memref_slice %arg7[%dma_wait3A_142, %dma_wait3A_143, %dma_wait3A_144] : memref<4x200x64xf32, #tpu.memory_space<vmem>> -> memref<1x200x64xf32, #tpu.memory_space<vmem>>
    %dma_wait3A_146 = tpu.memref_squeeze %dma_wait3A_145 : memref<1x200x64xf32, #tpu.memory_space<vmem>> -> memref<200x64xf32, #tpu.memory_space<vmem>>
    %dma_wait3A_147 = arith.constant 0 : i32
    %dma_wait3A_148 = arith.constant 0 : i32
    %dma_wait3A_149 = tpu.memref_slice %arg4[%add3A_141, %dma_wait3A_147, %dma_wait3A_148] : memref<4096x200x128xf32, #tpu.memory_space<hbm>> -> memref<1x200x64xf32, #tpu.memory_space<hbm>>
    %dma_wait3A_150 = tpu.memref_squeeze %dma_wait3A_149 : memref<1x200x64xf32, #tpu.memory_space<hbm>> -> memref<200x64xf32, #tpu.memory_space<hbm>>
    %dma_wait3A_151 = arith.constant 0 : i32
    %dma_wait3A_152 = arith.constant 0 : i32
    %dma_wait3A_153 = tpu.memref_slice %arg4[%add3A_141, %dma_wait3A_151, %dma_wait3A_152] : memref<4096x200x128xf32, #tpu.memory_space<hbm>> -> memref<1x200x64xf32, #tpu.memory_space<hbm>>
    %dma_wait3A_154 = tpu.memref_squeeze %dma_wait3A_153 : memref<1x200x64xf32, #tpu.memory_space<hbm>> -> memref<200x64xf32, #tpu.memory_space<hbm>>
    %dma_wait3A_155 = arith.constant 0 : i32
    %dma_wait3A_156 = arith.constant 0 : i32
    %dma_wait3A_157 = tpu.memref_slice %arg7[%dma_wait3A_142, %dma_wait3A_155, %dma_wait3A_156] : memref<4x200x64xf32, #tpu.memory_space<vmem>> -> memref<1x200x64xf32, #tpu.memory_space<vmem>>
    %dma_wait3A_158 = tpu.memref_squeeze %dma_wait3A_157 : memref<1x200x64xf32, #tpu.memory_space<vmem>> -> memref<200x64xf32, #tpu.memory_space<vmem>>
    tpu.wait_dma2 semaphore(%arg14 : memref<!tpu.dma_semaphore, #tpu.memory_space<semaphore_mem>>) src(%dma_wait3A_158 : memref<200x64xf32, #tpu.memory_space<vmem>>) dst(%dma_wait3A_154 : memref<200x64xf32, #tpu.memory_space<hbm>>)
    %add3A_159 = arith.constant 127 : i32
    %add3A_160 = arith.addi %mul3A_2, %add3A_159 : i32
    %dma_wait3A_161 = arith.constant 3 : i32
    %dma_wait3A_162 = arith.constant 0 : i32
    %dma_wait3A_163 = arith.constant 0 : i32
    %dma_wait3A_164 = tpu.memref_slice %arg7[%dma_wait3A_161, %dma_wait3A_162, %dma_wait3A_163] : memref<4x200x64xf32, #tpu.memory_space<vmem>> -> memref<1x200x64xf32, #tpu.memory_space<vmem>>
    %dma_wait3A_165 = tpu.memref_squeeze %dma_wait3A_164 : memref<1x200x64xf32, #tpu.memory_space<vmem>> -> memref<200x64xf32, #tpu.memory_space<vmem>>
    %dma_wait3A_166 = arith.constant 0 : i32
    %dma_wait3A_167 = arith.constant 0 : i32
    %dma_wait3A_168 = tpu.memref_slice %arg4[%add3A_160, %dma_wait3A_166, %dma_wait3A_167] : memref<4096x200x128xf32, #tpu.memory_space<hbm>> -> memref<1x200x64xf32, #tpu.memory_space<hbm>>
    %dma_wait3A_169 = tpu.memref_squeeze %dma_wait3A_168 : memref<1x200x64xf32, #tpu.memory_space<hbm>> -> memref<200x64xf32, #tpu.memory_space<hbm>>
    %dma_wait3A_170 = arith.constant 0 : i32
    %dma_wait3A_171 = arith.constant 0 : i32
    %dma_wait3A_172 = tpu.memref_slice %arg4[%add3A_160, %dma_wait3A_170, %dma_wait3A_171] : memref<4096x200x128xf32, #tpu.memory_space<hbm>> -> memref<1x200x64xf32, #tpu.memory_space<hbm>>
    %dma_wait3A_173 = tpu.memref_squeeze %dma_wait3A_172 : memref<1x200x64xf32, #tpu.memory_space<hbm>> -> memref<200x64xf32, #tpu.memory_space<hbm>>
    %dma_wait3A_174 = arith.constant 0 : i32
    %dma_wait3A_175 = arith.constant 0 : i32
    %dma_wait3A_176 = tpu.memref_slice %arg7[%dma_wait3A_161, %dma_wait3A_174, %dma_wait3A_175] : memref<4x200x64xf32, #tpu.memory_space<vmem>> -> memref<1x200x64xf32, #tpu.memory_space<vmem>>
    %dma_wait3A_177 = tpu.memref_squeeze %dma_wait3A_176 : memref<1x200x64xf32, #tpu.memory_space<vmem>> -> memref<200x64xf32, #tpu.memory_space<vmem>>
    tpu.wait_dma2 semaphore(%arg15 : memref<!tpu.dma_semaphore, #tpu.memory_space<semaphore_mem>>) src(%dma_wait3A_177 : memref<200x64xf32, #tpu.memory_space<vmem>>) dst(%dma_wait3A_173 : memref<200x64xf32, #tpu.memory_space<hbm>>)
    return
  }
}

</mosaic_0001>

<sc_bundles>
// kernel: kernel.3.cloned.1.call-start
scs
__scs_entry_jumppad:
0x0: {  	(pc) =	sbr.rel $0x88, $3  }
0x1: {  	(tag) =	ssettag $0x0;
	lr =	simm.s32 $0x1  }
0x2: {  	[smem:$0x3F9F] =	sst lr;
	_ =	strace $0xD0000000  }
0x3: {  	_ = 	snop  }
0x4: {  	_ = 	snop  }
0x5: {  	_ = 	snop  }
0x6: {  	_ = 	snop  }
0x7: {  	_ = 	snop  }
__scs_overlays_trampoline_lowered:
0x8: {  	[smem:$0x3FAE] =	sst s0  }
0x9: {  	[smem:$0x3FAF] =	sst s1  }
0xa: {  	[smem:$0x3FB0] =	sst s2  }
0xb: {  	[smem:$0x3FB1] =	sst s3  }
0xc: {  	[smem:$0x3FB2] =	sst s4  }
0xd: {  	[smem:$0x3FB3] =	sst s5  }
0xe: {  	[smem:$0x3FB4] =	sst s6  }
0xf: {  	[smem:$0x3FB5] =	sst s7  }
0x10: {  	[smem:$0x3FB6] =	sst s8  }
0x11: {  	[smem:$0x3FB7] =	sst s9;
	s0 =	simm.s32 @!p0 $0x0  }
0x12: {  	s1 =	sld [smem:$0x3F9D];
	s0 =	simm.s32 @p0 $0x1  }
0x13: {  	[smem:$0x3FB8] =	sst s0;
	s0 =	simm.s32 @!p1 $0x0  }
0x14: {  	s2 =	sld [smem:$0x3F9C];
	s0 =	simm.s32 @p1 $0x1  }
0x15: {  	[smem:$0x3FB9] =	sst s0;
	s0 =	simm.s32 @!p2 $0x0  }
0x16: {  	s3 =	sld [smem:$0x3FDB];
	s0 =	simm.s32 @p2 $0x1  }
0x17: {  	s4 =	simm.s32 $0x1BF5;
	[smem:$0x3FBB] =	sst s0  }
0x18: {  	s0 =	sld [smem:$0x3F9E];
	_ =	swait.ge [sflag:s4], $0x0  }
0x19: {  	s7 =	sld [smem:$0x3F9F]  }
0x1a: {  	s8 =	sadd.s32 $0xFFFFE003, lr  }
0x1b: {  	s9 =	sadd.s32 $0xFFFFFEF7, lr;
	s5 =	simm.s32 $0xFFFFFFFF;
	p2 =	slt.u32 s8, $0xFFFFF086  }
0x1c: {  	p1 =	slt.u32 s9, $0xF7A;
	s5 =	simm.s32 @!p2 $0x0  }
0x1d: {  	s5 =	simm.s32 @p1 $0x1;
	p0 =	seq.s32 s7, s2  }
0x1e: {  	s7 =	smul.u32 @!p0 $0xF7A, s2;
	p2 =	seq.s32 @!p0 s5, $0x0  }
0x1f: {  	s9 =	smul.u32 $0xF7A, s1;
	s8 =	simm.s32 @!p0 $0x1BF5;
	p2 =	por !p2, p0  }
0x20: {  	[sflag:s8] =	ssyncset.s32 @!p0 $0xFFFFF086;
	s6 =	sadd.s32 @!p0 s3, s7;
	s7 =	simm.s32 @!p0 $0x108  }
0x21: {  	s3 =	sadd.s32 s3, s9;
	s6 =	sadd.s32 @!p0 $0x88, s6;
	s7 =	simm.s32 @p2 $0x1082  }
0x22: {  	[simem:s7], [sflag:s8] =	dma.local @!p0 [hbm:s6], $0xF7A  }
0x23: {  	s9 =	sor.u32 $0xD0000000, s2;
	s6 =	simm.s32 $0x108;
	_ =	swait.ge @!p0 [sflag:s8], $0x0  }
0x24: {  	s3 =	sadd.s32 $0x88, s3;
	s6 =	simm.s32 @!p1 $0x1082;
	[sflag:s4] =	ssyncset.s32 $0xFFFFF086  }
0x25: {  	[simem:s6], [sflag:s4] =	dma.local [hbm:s3], $0xF7A  }
0x26: {  	[smem:$0x3F9F] =	sst s1;
	(tag) =	ssettag s2;
	_ =	strace s9  }
0x27: {  	s1 =	sld [smem:$0x3FAF]  }
0x28: {  	s2 =	sld [smem:$0x3FB0]  }
0x29: {  	s4 =	sld [smem:$0x3FB2]  }
0x2a: {  	p0 =	seq.s32 s5, $0x0;
	s5 =	sld [smem:$0x3FB3]  }
0x2b: {  	s6 =	sld [smem:$0x3FB4]  }
0x2c: {  	s7 =	sld [smem:$0x3FB5]  }
0x2d: {  	s3 =	simm.s32 $0x108;
	s8 =	sld [smem:$0x3FB6]  }
0x2e: {  	s3 =	simm.s32 @!p0 $0x1082;
	s9 =	sld [smem:$0x3FB7]  }
0x2f: {  	lr =	sadd.s32 s0, s3;
	s0 =	sld [smem:$0x3FAE]  }
0x30: {  	s3 =	sld [smem:$0x3FB1]  }
0x31: {  	[smem:$0x3FBA] =	sst s10  }
0x32: {  	s10 =	sld [smem:$0x3FB8];
	_ =	sdelay $0x3  }
0x33: {  	p0 =	seq.s32 s10, $0x1;
	s10 =	sld [smem:$0x3FBA];
	_ =	sdelay $0x3  }
0x34: {  	[smem:$0x3FBA] =	sst s10  }
0x35: {  	s10 =	sld [smem:$0x3FB9];
	_ =	sdelay $0x3  }
0x36: {  	p1 =	seq.s32 s10, $0x1;
	s10 =	sld [smem:$0x3FBA];
	_ =	sdelay $0x3  }
0x37: {  	[smem:$0x3FBA] =	sst s10  }
0x38: {  	s10 =	sld [smem:$0x3FBB]  }
0x39: {  	_ = 	snop;
	(pc) =	sbr.ind lr, $3  }
0x3a: {  	_ = 	snop  }
0x3b: {  	_ = 	snop  }
0x3c: {  	p2 =	seq.s32 s10, $0x1;
	s10 =	sld [smem:$0x3FBA]  }
0x3d: {  	_ =	shalt  }
0x3e: {  	_ =	shalt  }
0x3f: {  	_ =	shalt  }
0x40: {  	_ =	shalt  }
0x41: {  	_ =	shalt  }
0x42: {  	_ =	shalt  }
0x43: {  	_ =	shalt  }
0x44: {  	_ =	shalt  }
0x45: {  	_ =	shalt  }
0x46: {  	_ =	shalt  }
0x47: {  	_ =	shalt  }
0x48: {  	_ =	shalt  }
0x49: {  	_ =	shalt  }
0x4a: {  	_ =	shalt  }
0x4b: {  	_ =	shalt  }
0x4c: {  	_ =	shalt  }
0x4d: {  	_ =	shalt  }
0x4e: {  	_ =	shalt  }
0x4f: {  	_ =	shalt  }
0x50: {  	_ =	shalt  }
0x51: {  	_ =	shalt  }
0x52: {  	_ =	shalt  }
0x53: {  	_ =	shalt  }
0x54: {  	_ =	shalt  }
0x55: {  	_ =	shalt  }
0x56: {  	_ =	shalt  }
0x57: {  	_ =	shalt  }
0x58: {  	_ =	shalt  }
0x59: {  	_ =	shalt  }
0x5a: {  	_ =	shalt  }
0x5b: {  	_ =	shalt  }
0x5c: {  	_ =	shalt  }
0x5d: {  	_ =	shalt  }
0x5e: {  	_ =	shalt  }
0x5f: {  	_ =	shalt  }
0x60: {  	_ =	shalt  }
0x61: {  	_ =	shalt  }
0x62: {  	_ =	shalt  }
0x63: {  	_ =	shalt  }
0x64: {  	_ =	shalt  }
0x65: {  	_ =	shalt  }
0x66: {  	_ =	shalt  }
0x67: {  	_ =	shalt  }
0x68: {  	_ =	shalt  }
0x69: {  	_ =	shalt  }
0x6a: {  	_ =	shalt  }
0x6b: {  	_ =	shalt  }
0x6c: {  	_ =	shalt  }
0x6d: {  	_ =	shalt  }
0x6e: {  	_ =	shalt  }
0x6f: {  	_ =	shalt  }
0x70: {  	_ =	shalt  }
0x71: {  	_ =	shalt  }
0x72: {  	_ =	shalt  }
0x73: {  	_ =	shalt  }
0x74: {  	_ =	shalt  }
0x75: {  	_ =	shalt  }
0x76: {  	_ =	shalt  }
0x77: {  	_ =	shalt  }
0x78: {  	_ =	shalt  }
0x79: {  	_ =	shalt  }
0x7a: {  	_ =	shalt  }
0x7b: {  	_ =	shalt  }
0x7c: {  	_ =	shalt  }
0x7d: {  	_ =	shalt  }
0x7e: {  	_ =	shalt  }
0x7f: {  	_ =	shalt  }
0x80: {  	_ =	shalt  }
0x81: {  	_ =	shalt  }
0x82: {  	_ =	shalt  }
0x83: {  	_ =	shalt  }
0x84: {  	_ =	shalt  }
0x85: {  	_ =	shalt  }
0x86: {  	_ =	shalt  }
0x87: {  	_ =	shalt  }
.Lfunc_end0:
.L_simem_size_0:
called_computation.1_lowered:
.L_overlay_start_0:
0x88: {  	s2 =	sld [smem:$0x3FD9]  }
0x89: {  	s3 =	sld [smem:$0x3FFE];
	_ =	sdelay $0x1  }
0x8a: {  	s1 =	srdreg.scid  }
0x8b: {  	s0 =	sand.u32 $0x1, s1  }
0x8c: {  	s17 =	sshll.u32 s0, $0xA;
	s2 =	sadd.s32 s3, s2  }
0x8d: {  	s2 =	sadd.s32 s2, s17  }
0x8e: {  	[smem:$0x3FC6] =	sst s2  }
0x8f: {  	_ = 	snop  }
0x90: {  	s2 =	sld [smem:$0x3FD0];
	(tm) =	ssettm $0x1  }
0x91: {  	s18 =	sld [smem:$0x3FFB];
	_ =	sdelay $0x3  }
0x92: {  	_ =	strace s18  }
0x93: {  	s3 =	sld [smem:$0x3FFC];
	_ =	sdelay $0x3  }
0x94: {  	_ =	strace s3  }
0x95: {  	s3 =	sld [smem:$0x3FFD];
	_ =	sdelay $0x3  }
0x96: {  	_ =	strace s3  }
0x97: {  	_ =	strace $0x8FFFFFFF  }
0x98: {  	s19 =	sld [smem:$0x3FDB];
	_ =	sdelay $0x1  }
0x99: {  	s4 =	simm.s32 $_scs_section_size  }
0x9a: {  	s5 =	simm.s32 $_size__tile_overlayer_lowered;
	s6 =	simm.s32 $_tile_overlayer_lowered  }
0x9b: {  	s22 =	simm.s32 $0x1BFF;
	s21 =	sshll.u32 s6, $0x1;
	s3 =	sadd.s32 s4, s19  }
0x9c: {  	s7 =	simm.s32 $0x0;
	s20 =	sshll.u32 s5, $0x1;
	s5 =	sadd.s32 s21, s3  }
0x9d: {  	[timem:s7], [sflag:s22] =	dma.local [hbm:s5], s20  }
0x9e: {  	_ =	swait.ge [sflag:s22], s20  }
0x9f: {  	s4 =	ssub.s32 $0x0, s20;
	[sflag:s22] =	ssyncset.done $0x0  }
0xa0: {  	[sflag:s22] =	ssyncadd.s32 s4;
	_ =	sdelay $0x1  }
0xa1: {  	s23 =	simm.s32 $0x1B8B  }
0xa2: {  	_ =	swait.ge [sflag:s23], $0x1  }
0xa3: {  	[sflag:s23] =	ssyncset.done $0x0  }
0xa4: {  	s25 =	simm.s32 $0x1B8E;
	s24 =	sld [smem:$0x3FFE];
	[sflag:s23] =	ssyncadd.s32 $0xFFFFFFFF  }
0xa5: {  	s26 =	simm.s32 $execute0_lowered;
	[smem:$0x3FD2] =	sst s25  }
0xa6: {  	s5 =	sshll.u32 s26, $0x1;
	_ =	strace $0x80000046;
	[dreg:$0x1] =	wrdreg $0xFFFFFFFF  }
0xa7: {  	s28 =	simm.s32 $_size_execute0_lowered;
	s3 =	sadd.s32 s3, s5;
	[dreg:$0x0] =	wrdreg $0x0  }
0xa8: {  	s5 =	sshll.u32 s28, $0x1;
	[dreg:$0x2] =	wrdreg s3  }
0xa9: {  	[dreg:$0x3] =	wrdreg s5  }
0xaa: {  	[dreg:$0x4] =	wrdreg $0xC0  }
0xab: {  	_ =	task [dreg:s7], $0x5FFFF  }
0xac: {  	[dreg:$0x1] =	wrdreg $0xFFFFFFFF  }
0xad: {  	[dreg:$0x0] =	wrdreg $0x60  }
0xae: {  	[dreg:$0x2] =	wrdreg s2  }
0xaf: {  	[dreg:$0x3] =	wrdreg s24  }
0xb0: {  	[dreg:$0x4] =	wrdreg $0x9  }
0xb1: {  	_ =	task.clear_ibuf [dreg:s7], $0x5FFFF;
	_ =	strace $0x90000046  }
0xb2: {  	s29 =	simm.s32 $0x9;
	_ =	strace $0x80000048  }
0xb3: {  	_ =	swait.ge [sflag:s29], $0x1  }
0xb4: {  	[sflag:s29] =	ssyncadd.s32 $0xFFFFFFFF  }
0xb5: {  	_ =	strace $0x90000048  }
0xb6: {  	_ =	sfence  }
0xb7: {  	s30 =	sld [smem:$0x0];
	_ =	sdelay $0x2  }
0xb8: {  	s31 =	sshll.u32 s1, $0xD;
	s1 =	sshrl.u32 s1, $0x2  }
0xb9: {  	s3 =	sand.u32 $0x4000, s31;
	s1 =	sadd.s32 s1, s30  }
0xba: {  	s0 =	sor.u32 s3, s0;
	s1 =	sshll.u32 s1, $0x11  }
0xbb: {  	s0 =	sor.u32 s1, s0  }
0xbc: {  	s0 =	sadd.s32 $0x8F2B, s0  }
0xbd: {  	[sflag:s0] =	ssyncadd.remote.s32 $0x1  }
0xbe: {  	_ =	sfence.sel $0xFFFF  }
0xbf: {  	[dreg:$0x0] =	wrdreg $0xFFFFFFFF;
	(pc) =	sbr.abs _section_cstart, $3  }
0xc0: {  	[dreg:$0x1] =	wrdreg $0xFFFFFFFF  }
0xc1: {  	_ =	task.clear_ibuf [dreg:s7], $0x2FFFF;
	_ =	strace $0x9FFFFFFF  }
0xc2: {  	(tm) =	ssettm $0x7FFFFFFF  }
0xc3: {  	_ =	shalt  }
tec
execute0_lowered:
.L_overlay_start_1:
0x0: {  	(tag) =	ssettag $0x1  }
0x1: {  	s0 =	rddreg [dreg:$0x0]  }
0x2: {  	s1 =	rddreg [dreg:$0x1]  }
0x3: {  	s2 =	srdreg.scid;
	s6 =	stileid.u32;
	s23 =	simm.s32 $0x0  }
0x4: {  	s9 =	simm.s32 $0xC8;
	s10 =	simm.s32 $0x9;
	s11 =	simm.s32 $0x48  }
0x5: {  	s12 =	simm.s32 $0x4000;
	s13 =	simm.s32 $0x6400;
	s15 =	simm.s32 $0x9600  }
0x6: {  	s19 =	simm.s32 $0xC800;
	s28 =	simm.s32 $0x40;
	s29 =	simm.s32 $0x2  }
0x7: {  	s30 =	simm.s32 $0x3;
	s31 =	simm.s32 $0x4;
	s14 =	simm.s32 $0x7  }
0x8: {  	s16 =	simm.s32 $0x8;
	s17 =	simm.s32 $0x0;
	s4 =	sand.u32 $0x1, s2  }
0x9: {  	s3 =	sshll.u32 s6, $0x8;
	[smem:$0x7FF] =	sst s23;
	s6 =	smul.u32 $0xC8000, s6  }
0xa: {  	s23 =	simm.s32 $0xFA00;
	s5 =	sshll.u32 s4, $0x7;
	_ =	strace $0x80000047  }
0xb: {  	s7 =	ssub.s32 $0x2, s4;
	s8 =	smul.u32 $0x64000, s4;
	s3 =	sor.u32 s5, s3  }
0xc: {  	s24 =	sshrl.u32 s7, $0x1;
	s5 =	smul.u32 $0x19, s3;
	s3 =	sadd.s32 $0xF42E00, s1  }
.Ltmp0:
0xd: {  	s1 =	sadd.s32 s6, s1;
	s25 =	ssub.s32 s7, s24;
	(pc) =	sbr.rel .LBB2_1-.Ltmp0, $4  }
0xe: {  	s1 =	sadd.s32 s8, s1;
	s8 =	simm.s32 $0x80;
	s4 =	sadd.s32 s0, s5  }
0xf: {  	s0 =	smax.u32 s25, $0x1;
	s7 =	sadd.s32 $0xA00, s1;
	s25 =	simm.s32 $0x11A00  }
0x10: {  	s1 =	simm.s32 $0x6;
	s26 =	sadd.s32 $0x10, s4;
	[dreg:$0x4] =	wrdreg s0  }
0x11: {  	s0 =	simm.s32 $0x5;
	[dreg:$0x3] =	wrdreg s26;
	s26 =	simm.s32 $0x1  }
.LBB2_4:
0x12: {  	_ =	swait.ge [sflag:s0], $0x3200  }
0x13: {  	[sflag:s0] =	ssyncset.done $0x0  }
0x14: {  	[sflag:s0] =	ssyncadd.s32 $0xFFFFCE00  }
0x15: {  	_ =	swait.ge [sflag:s1], $0x3200  }
0x16: {  	[sflag:s1] =	ssyncset.done $0x0  }
0x17: {  	[sflag:s1] =	ssyncadd.s32 $0xFFFFCE00  }
0x18: {  	_ =	swait.ge [sflag:s14], $0x3200  }
0x19: {  	[sflag:s14] =	ssyncset.done $0x0  }
0x1a: {  	[sflag:s14] =	ssyncadd.s32 $0xFFFFCE00  }
0x1b: {  	_ =	swait.ge [sflag:s16], $0x3200  }
0x1c: {  	s17 =	sadd.s32 $0x1, s17;
	s2 =	rddreg [dreg:$0x4]  }
0x1d: {  	p0 =	sne.s32 s17, s2  }
.Ltmp1:
0x1e: {  	_ = 	snop;
	(pc) =	sbr.rel @!p0 .LBB2_5-.Ltmp1, $3  }
0x1f: {  	_ =	sdelay $0x1  }
0x20: {  	[sflag:s16] =	ssyncset.done $0x0  }
0x21: {  	[sflag:s16] =	ssyncadd.s32 $0xFFFFCE00  }
.LBB2_1:
0x22: {  	s2 =	simm.s32 $0x0  }
0x23: {  	[tilespmem:s2], [sflag:$0x9] =	stream.strided.gather [hbm4b:s4+s8], $0x4000, s9, s8, $0x38;
	[tilespmem:$0x12C00] =	vst v63  }
0x24: {  	_ =	swait.ge [sflag:s10], $0x4000  }
0x25: {  	[sflag:s10] =	ssyncset.done $0x0  }
0x26: {  	s5 =	rddreg [dreg:$0x3];
	[sflag:s10] =	ssyncadd.s32 $0xFFFFC000  }
0x27: {  	[tilespmem:s12], [sflag:$0x9] =	stream.strided.gather [hbm4b:s5+s11], $0x2400, s9, s11, $0x38;
	[tilespmem:$0x12C00] =	vst v63  }
0x28: {  	_ =	swait.ge [sflag:s10], $0x2400  }
0x29: {  	[sflag:s10] =	ssyncset.done $0x0  }
0x2a: {  	[sflag:s10] =	ssyncadd.s32 $0xFFFFDC00  }
0x2b: {  	[tilespmem:s13], [sflag:$0x1] =	stream.indirect.gather [hbm4b:s3+s8], $0x40, s2, s8, $0xb8;
	[tilespmem:$0x12C00] =	vst v63  }
0x2c: {  	s24 =	simm.s32 $0x8400  }
0x2d: {  	[tilespmem:s24], [sflag:$0x1] =	stream.indirect.gather [hbm4b:s3+s11], $0x40, s12, s11, $0xb8;
	[tilespmem:$0x12C00] =	vst v63  }
0x2e: {  	_ = 	snop  }
0x2f: {  	[tilespmem:s15], [sflag:$0x2] =	stream.indirect.gather [hbm4b:s3+s8], $0x40, s8, s8, $0xb8;
	[tilespmem:$0x12C00] =	vst v63  }
0x30: {  	s6 =	simm.s32 $0xB600;
	s5 =	simm.s32 $0x4048  }
0x31: {  	[tilespmem:s6], [sflag:$0x2] =	stream.indirect.gather [hbm4b:s3+s11], $0x40, s5, s11, $0xb8;
	[tilespmem:$0x12C00] =	vst v63  }
0x32: {  	s18 =	simm.s32 $0x100  }
0x33: {  	[tilespmem:s19], [sflag:$0x3] =	stream.indirect.gather [hbm4b:s3+s8], $0x40, s18, s8, $0xb8;
	[tilespmem:$0x12C00] =	vst v63  }
0x34: {  	s20 =	simm.s32 $0x4090;
	s21 =	simm.s32 $0xE800  }
0x35: {  	[tilespmem:s21], [sflag:$0x3] =	stream.indirect.gather [hbm4b:s3+s11], $0x40, s20, s11, $0xb8;
	[tilespmem:$0x12C00] =	vst v63  }
0x36: {  	s22 =	simm.s32 $0x180;
	s24 =	simm.s32 $0x40D8  }
0x37: {  	[tilespmem:s23], [sflag:$0x4] =	stream.indirect.gather [hbm4b:s3+s8], $0x40, s22, s8, $0xb8;
	[tilespmem:$0x12C00] =	vst v63  }
0x38: {  	s18 =	simm.s32 $0x200;
	s20 =	simm.s32 $0x4120;
	s21 =	simm.s32 $0x0  }
0x39: {  	[tilespmem:s25], [sflag:$0x4] =	stream.indirect.gather [hbm4b:s3+s11], $0x40, s24, s11, $0xb8;
	[tilespmem:$0x12C00] =	vst v63  }
.LBB2_2:
0x3a: {  	_ =	swait.ge [sflag:s26], $0x3200  }
0x3b: {  	p0 =	seq.s32 s21, $0x60E00;
	[sflag:s26] =	ssyncset.done $0x0  }
0x3c: {  	s22 =	sadd.s32 s21, s7;
	s24 =	simm.s32 @!p0 $0x5;
	[sflag:s26] =	ssyncadd.s32 $0xFFFFCE00  }
0x3d: {  	[hbm4b:s22+s28] =	stream.strided.scatter [tilespmem:s13], [sflag:$0x5], $0x3200, s8, s28, $0x38;
	[tilespmem:$0x12C00] =	vst v63  }
0x3e: {  	_ =	swait.ge @!p0 [sflag:s24], $0x3200  }
0x3f: {  	[sflag:s24] =	ssyncset.done @!p0 $0x0  }
0x40: {  	s2 =	simm.s32 @!p0 $0x6400;
	[sflag:s24] =	ssyncadd.s32 @!p0 $0xFFFFCE00;
	s24 =	simm.s32 @!p0 $0x80  }
0x41: {  	[tilespmem:s2], [sflag:$0x1] =	stream.indirect.gather @!p0 [hbm4b:s3+s24], $0x40, s18, s24, $0xb8;
	[tilespmem:$0x12C00] =	vst v63  }
0x42: {  	s5 =	simm.s32 @!p0 $0x8400;
	s2 =	simm.s32 @!p0 $0x48  }
0x43: {  	[tilespmem:s5], [sflag:$0x1] =	stream.indirect.gather @!p0 [hbm4b:s3+s2], $0x40, s20, s2, $0xb8;
	[tilespmem:$0x12C00] =	vst v63  }
0x44: {  	_ =	swait.ge [sflag:s29], $0x3200  }
0x45: {  	[sflag:s29] =	ssyncset.done $0x0  }
0x46: {  	s6 =	sadd.s32 $0xC80, s22;
	s5 =	simm.s32 @!p0 $0x6;
	[sflag:s29] =	ssyncadd.s32 $0xFFFFCE00  }
0x47: {  	[hbm4b:s6+s28] =	stream.strided.scatter [tilespmem:s15], [sflag:$0x6], $0x3200, s8, s28, $0x38;
	[tilespmem:$0x12C00] =	vst v63  }
0x48: {  	_ =	swait.ge @!p0 [sflag:s5], $0x3200  }
0x49: {  	[sflag:s5] =	ssyncset.done @!p0 $0x0  }
0x4a: {  	s6 =	simm.s32 @!p0 $0x9600;
	[sflag:s5] =	ssyncadd.s32 @!p0 $0xFFFFCE00;
	s5 =	sadd.s32 @!p0 $0x80, s18  }
0x4b: {  	[tilespmem:s6], [sflag:$0x2] =	stream.indirect.gather @!p0 [hbm4b:s3+s24], $0x40, s5, s24, $0xb8;
	[tilespmem:$0x12C00] =	vst v63  }
0x4c: {  	s5 =	sadd.s32 @!p0 $0x48, s20;
	s6 =	simm.s32 @!p0 $0xB600  }
0x4d: {  	[tilespmem:s6], [sflag:$0x2] =	stream.indirect.gather @!p0 [hbm4b:s3+s2], $0x40, s5, s2, $0xb8;
	[tilespmem:$0x12C00] =	vst v63  }
0x4e: {  	_ =	swait.ge [sflag:s30], $0x3200  }
0x4f: {  	[sflag:s30] =	ssyncset.done $0x0  }
0x50: {  	s6 =	sadd.s32 $0x1900, s22;
	s5 =	simm.s32 @!p0 $0x7;
	[sflag:s30] =	ssyncadd.s32 $0xFFFFCE00  }
0x51: {  	[hbm4b:s6+s28] =	stream.strided.scatter [tilespmem:s19], [sflag:$0x7], $0x3200, s8, s28, $0x38;
	[tilespmem:$0x12C00] =	vst v63  }
0x52: {  	_ =	swait.ge @!p0 [sflag:s5], $0x3200  }
0x53: {  	[sflag:s5] =	ssyncset.done @!p0 $0x0  }
0x54: {  	s6 =	simm.s32 @!p0 $0xC800;
	[sflag:s5] =	ssyncadd.s32 @!p0 $0xFFFFCE00;
	s5 =	sadd.s32 @!p0 $0x100, s18  }
0x55: {  	[tilespmem:s6], [sflag:$0x3] =	stream.indirect.gather @!p0 [hbm4b:s3+s24], $0x40, s5, s24, $0xb8;
	[tilespmem:$0x12C00] =	vst v63  }
0x56: {  	s5 =	sadd.s32 @!p0 $0x90, s20;
	s6 =	simm.s32 @!p0 $0xE800  }
0x57: {  	[tilespmem:s6], [sflag:$0x3] =	stream.indirect.gather @!p0 [hbm4b:s3+s2], $0x40, s5, s2, $0xb8;
	[tilespmem:$0x12C00] =	vst v63  }
.Ltmp2:
0x58: {  	_ = 	snop;
	(pc) =	sbr.rel @p0 .LBB2_4-.Ltmp2, $4  }
0x59: {  	_ =	swait.ge [sflag:s31], $0x3200  }
0x5a: {  	[sflag:s31] =	ssyncset.done $0x0  }
0x5b: {  	s24 =	sadd.s32 $0x2580, s22;
	[sflag:s31] =	ssyncadd.s32 $0xFFFFCE00  }
0x5c: {  	[hbm4b:s24+s28] =	stream.strided.scatter [tilespmem:s23], [sflag:$0x8], $0x3200, s8, s28, $0x38;
	[tilespmem:$0x12C00] =	vst v63  }
0x5d: {  	_ =	swait.ge [sflag:s16], $0x3200  }
.Ltmp3:
0x5e: {  	[sflag:s16] =	ssyncset.done $0x0;
	(pc) =	sbr.rel .LBB2_2-.Ltmp3, $4  }
0x5f: {  	s2 =	sadd.s32 $0x180, s18;
	s24 =	sadd.s32 $0xD8, s20;
	[sflag:s16] =	ssyncadd.s32 $0xFFFFCE00  }
0x60: {  	[tilespmem:s23], [sflag:$0x4] =	stream.indirect.gather [hbm4b:s3+s8], $0x40, s2, s8, $0xb8;
	[tilespmem:$0x12C00] =	vst v63  }
0x61: {  	s21 =	sadd.s32 $0x3200, s21;
	s18 =	sadd.s32 $0x200, s18;
	s20 =	sadd.s32 $0x120, s20  }
0x62: {  	[tilespmem:s25], [sflag:$0x4] =	stream.indirect.gather [hbm4b:s3+s11], $0x40, s24, s11, $0xb8;
	[tilespmem:$0x12C00] =	vst v63  }
.LBB2_5:
0x63: {  	_ =	sfence.sel $0x180000  }
0x64: {  	[bflag:$0x0] =	sbarrier.arrive $0xFFFF  }
0x65: {  	_ =	strace $0x90000047  }
0x66: {  	s0 =	stileid.u32;
	[bflag:$0x2] =	sbarrier.arrive $0xFFFF  }
0x67: {  	p0 =	sne.s32 s0, $0x0;
	s0 =	rddreg [dreg:$0x2]  }
0x68: {  	s0 =	sadd.s32 @!p0 $0x100000, s0  }
0x69: {  	[sflag:s0] =	ssyncadd.tile.s32 @!p0 $0x1;
	_ =	shalt  }
.Lfunc_end2:
_tile_overlayer_lowered:
.L_overlay_start_2:
0x6a: {  	(tag) =	ssettag $0x2  }
0x6b: {  	s0 =	rddreg [dreg:$0x0];
	s2 =	stileid.u32  }
0x6c: {  	s1 =	rddreg [dreg:$0x1];
	p0 =	sne.s32 s2, $0x0  }
0x6d: {  	s3 =	rddreg [dreg:$0x2];
	[bflag:$0x3] =	sbarrier.arrive $0xFFFF;
	s2 =	simm.s32 @!p0 $0x1C09  }
0x6e: {  	[timem:s3], [sflag:s2] =	dma.local @!p0 [hbm:s0], s1  }
0x6f: {  	s0 =	simm.s32 @!p0 $0x9  }
0x70: {  	_ =	swait.ge @!p0 [sflag:s0], s1  }
0x71: {  	s1 =	ssub.s32 @!p0 $0x0, s1;
	[sflag:s0] =	ssyncset.done @!p0 $0x0  }
0x72: {  	[sflag:s0] =	ssyncadd.s32 @!p0 s1  }
0x73: {  	[bflag:$0x3] =	sbarrier.arrive $0xFFFF  }
0x74: {  	_ =	shalt  }

// kernel: sparse-core-data-format-call.cloned.1.call-start
scs
called_computation_lowered:
.L_overlay_start_0:
0x0: {  	s2 =	sld [smem:$0x3FD9]  }
0x1: {  	s3 =	sld [smem:$0x3FFE];
	_ =	sdelay $0x1  }
0x2: {  	s1 =	srdreg.scid  }
0x3: {  	s0 =	sand.u32 $0x1, s1  }
0x4: {  	s18 =	sshll.u32 s0, $0xA;
	s2 =	sadd.s32 s3, s2  }
0x5: {  	s2 =	sadd.s32 s2, s18  }
0x6: {  	[smem:$0x3FC6] =	sst s2  }
0x7: {  	_ = 	snop  }
0x8: {  	s2 =	sld [smem:$0x3FD0];
	(tm) =	ssettm $0x1  }
0x9: {  	s19 =	sld [smem:$0x3FFB];
	_ =	sdelay $0x3  }
0xa: {  	_ =	strace s19  }
0xb: {  	s3 =	sld [smem:$0x3FFC];
	_ =	sdelay $0x3  }
0xc: {  	_ =	strace s3  }
0xd: {  	s3 =	sld [smem:$0x3FFD];
	_ =	sdelay $0x3  }
0xe: {  	_ =	strace s3  }
0xf: {  	_ =	strace $0x8FFFFFFF  }
0x10: {  	s20 =	sld [smem:$0x3FDB];
	_ =	sdelay $0x1  }
0x11: {  	s4 =	simm.s32 $_scs_section_size  }
0x12: {  	s5 =	simm.s32 $_size__tile_overlayer_lowered;
	s6 =	simm.s32 $_tile_overlayer_lowered  }
0x13: {  	s23 =	simm.s32 $0x1BFF;
	s22 =	sshll.u32 s6, $0x1;
	s3 =	sadd.s32 s4, s20  }
0x14: {  	s7 =	simm.s32 $0x0;
	s21 =	sshll.u32 s5, $0x1;
	s5 =	sadd.s32 s22, s3  }
0x15: {  	[timem:s7], [sflag:s23] =	dma.local [hbm:s5], s21  }
0x16: {  	_ =	swait.ge [sflag:s23], s21  }
0x17: {  	s4 =	ssub.s32 $0x0, s21;
	[sflag:s23] =	ssyncset.done $0x0  }
0x18: {  	[sflag:s23] =	ssyncadd.s32 s4;
	_ =	sdelay $0x1  }
0x19: {  	s24 =	simm.s32 $0x1B8B  }
0x1a: {  	_ =	swait.ge [sflag:s24], $0x1  }
0x1b: {  	[sflag:s24] =	ssyncset.done $0x0  }
0x1c: {  	s26 =	simm.s32 $0x1B8E;
	s25 =	sld [smem:$0x3FFE];
	[sflag:s24] =	ssyncadd.s32 $0xFFFFFFFF  }
0x1d: {  	s27 =	simm.s32 $execute0_lowered;
	[smem:$0x3FD2] =	sst s26  }
0x1e: {  	s5 =	sshll.u32 s27, $0x1;
	_ =	strace $0x80000049;
	[dreg:$0x1] =	wrdreg $0xFFFFFFFF  }
0x1f: {  	s28 =	simm.s32 $_size_execute0_lowered;
	s3 =	sadd.s32 s3, s5;
	[dreg:$0x0] =	wrdreg $0x0  }
0x20: {  	s5 =	sshll.u32 s28, $0x1;
	[dreg:$0x2] =	wrdreg s3  }
0x21: {  	[dreg:$0x3] =	wrdreg s5  }
0x22: {  	[dreg:$0x4] =	wrdreg $0xC0  }
0x23: {  	_ =	task [dreg:s7], $0x5FFFF  }
0x24: {  	[dreg:$0x1] =	wrdreg $0xFFFFFFFF  }
0x25: {  	[dreg:$0x0] =	wrdreg $0x60  }
0x26: {  	[dreg:$0x2] =	wrdreg s25  }
0x27: {  	[dreg:$0x3] =	wrdreg s2  }
0x28: {  	[dreg:$0x4] =	wrdreg $0x9  }
0x29: {  	_ =	task.clear_ibuf [dreg:s7], $0x5FFFF;
	_ =	strace $0x90000049  }
0x2a: {  	s29 =	simm.s32 $0x9;
	_ =	strace $0x8000004B  }
0x2b: {  	_ =	swait.ge [sflag:s29], $0x1  }
0x2c: {  	[sflag:s29] =	ssyncadd.s32 $0xFFFFFFFF  }
0x2d: {  	_ =	strace $0x9000004B  }
0x2e: {  	_ =	sfence  }
0x2f: {  	s30 =	sld [smem:$0x0];
	_ =	sdelay $0x2  }
0x30: {  	s31 =	sshll.u32 s1, $0xD;
	s1 =	sshrl.u32 s1, $0x2  }
0x31: {  	s3 =	sand.u32 $0x4000, s31;
	s1 =	sadd.s32 s1, s30  }
0x32: {  	s0 =	sor.u32 s3, s0;
	s1 =	sshll.u32 s1, $0x11  }
0x33: {  	s0 =	sor.u32 s1, s0  }
0x34: {  	s0 =	sadd.s32 $0x8F2B, s0  }
0x35: {  	[sflag:s0] =	ssyncadd.remote.s32 $0x1  }
0x36: {  	_ =	sfence.sel $0xFFFF  }
0x37: {  	[dreg:$0x0] =	wrdreg $0xFFFFFFFF;
	(pc) =	sbr.abs _section_cstart, $3  }
0x38: {  	[dreg:$0x1] =	wrdreg $0xFFFFFFFF  }
0x39: {  	_ =	task.clear_ibuf [dreg:s7], $0x2FFFF;
	_ =	strace $0x9FFFFFFF  }
0x3a: {  	(tm) =	ssettm $0x7FFFFFFF  }
0x3b: {  	_ =	shalt  }
tec
execute0_lowered:
.L_overlay_start_1:
0x0: {  	(tag) =	ssettag $0x1  }
0x1: {  	s0 =	srdreg.scid  }
0x2: {  	s1 =	sshll.u32 s0, $0x4  }
0x3: {  	s0 =	stileid.u32;
	s1 =	sand.u32 $0x10, s1  }
0x4: {  	s1 =	sor.u32 s0, s1  }
0x5: {  	s6 =	rddreg [dreg:$0x0];
	s4 =	simm.s32 $0x1;
	s2 =	sshll.u32 s1, $0x7  }
0x6: {  	s7 =	simm.s32 $0x2;
	s12 =	simm.s32 $0x0;
	s1 =	ssub.s32 $0x1000, s2  }
0x7: {  	s8 =	simm.s32 $0x8000;
	s13 =	simm.s32 $0x0;
	s3 =	sand.u32 $0xF80, s1  }
0x8: {  	s9 =	simm.s32 $0x0;
	s5 =	sshrl.u32 s1, $0xC;
	p0 =	sne.s32 s3, $0x0  }
.Ltmp0:
0x9: {  	s1 =	rddreg [dreg:$0x2];
	s4 =	simm.s32 @!p0 $0x0;
	(pc) =	sbr.rel .LBB1_1-.Ltmp0, $4  }
0xa: {  	s11 =	simm.s32 $0x0;
	s3 =	rddreg [dreg:$0x1];
	s5 =	sadd.s32 s4, s5  }
0xb: {  	_ =	strace $0x8000004A;
	s4 =	simm.s32 $0x1;
	s5 =	smul.u32 $0xC8, s5  }
0xc: {  	s6 =	sadd.s32 $0xA00, s6;
	s10 =	smov.u32 s2;
	[sflag:s4] =	ssyncpa.u1 $0x0  }
0xd: {  	p0 =	por $0x0, $0x0;
	[sflag:s7] =	ssyncpa.u1 $0x0;
	s7 =	sor.u32 $0x1, s5  }
.LBB1_4:
0xe: {  	s16 =	sshll.u32 s13, $0x3;
	s17 =	sand.u32 $0x78, s13  }
0xf: {  	s30 =	sand.u32 $0x7E00, s13;
	s12 =	sshll.u32 s12, $0xF;
	s16 =	sand.u32 $0xC00, s16  }
0x10: {  	[tilespmem:s15+$0x810 ss:$0x81] =	vst.msk $0xffff, v2;
	s31 =	sand.u32 $0x7, s13;
	s16 =	sor.u32 s17, s16;
	s17 =	sadd.s32 s3, s30  }
0x11: {  	[tilespmem:s15+$0x1020 ss:$0x81] =	vst.msk $0xffff, v0;
	s13 =	sshll.u32 s31, $0x12;
	s12 =	sadd.s32 s12, s17;
	s16 =	sshrl.u32 s16, $0x3  }
0x12: {  	[tilespmem:s15+$0x0 ss:$0x81] =	vst.msk $0xffff, v1;
	s13 =	sor.u32 $0x400, s13;
	s12 =	sadd.s32 s16, s12  }
0x13: {  	[hbm4b:s12+s13] =	stream.strided.scatter [tilespmem:s14], [sflag:$0x2], $0x2000, s8, s13, $0x20;
	[tilespmem:$0x8080] =	vst v63  }
.LBB1_5:
0x14: {  	s14 =	sadd.s32 $0x1, s9  }
0x15: {  	s12 =	sadd.s32 $0x1000, s10;
	s16 =	smov.u32 s10;
	p2 =	sgt.s32 s14, $0xC7  }
0x16: {  	s16 =	smov.u32 @p2 s12  }
0x17: {  	s14 =	simm.s32 @p2 $0x0;
	p2 =	sgt.s32 s16, $0xFFF  }
0x18: {  	s16 =	smov.u32 @p2 s2;
	p2 =	sne.s32 s11, s7  }
.Ltmp1:
0x19: {  	p1 =	slt.u32 s11, $0x2;
	(pc) =	sbr.rel @!p2 .LBB1_6-.Ltmp1, $4  }
0x1a: {  	s15 =	simm.s32 @!p1 $0x2  }
0x1b: {  	s13 =	smov.u32 s10;
	p0 =	por !p0, !p0;
	_ =	swait.ge @!p1 [sflag:s15], $0x2000  }
0x1c: {  	s12 =	smov.u32 s9;
	[sflag:s15] =	ssyncset.done @!p1 $0x0;
	s9 =	smov.u32 s14  }
0x1d: {  	s11 =	sadd.s32 $0x1, s11;
	[sflag:s15] =	ssyncadd.s32 @!p1 $0xFFFFE000;
	s10 =	smov.u32 s16  }
.LBB1_1:
0x1e: {  	p1 =	sge.u32 s11, s5  }
0x1f: {  	s14 =	sand.u32 @!p1 $0x1FFFFFF, s9  }
0x20: {  	s15 =	smulhi.u32 @!p1 $0x147AE15, s14;
	_ =	sdelay $0x1  }
0x21: {  	s15 =	smul.u32 @!p1 $0xC8, s15  }
0x22: {  	s16 =	sxor.u32 @!p1 $0xFFFFFFFF, s11;
	s17 =	smul.u32 @!p1 $0xC80, s10  }
0x23: {  	s31 =	sadd.s32 $0xFFFFFFFF, s11;
	s16 =	sshll.u32 @!p1 s16, $0xD;
	s14 =	ssub.s32 @!p1 s14, s15  }
0x24: {  	s15 =	sand.u32 @!p1 $0x2000, s16;
	s16 =	sadd.s32 @!p1 s6, s17;
	s14 =	sshll.u32 @!p1 s14, $0x4  }
0x25: {  	s17 =	simm.s32 @!p1 $0x6400;
	s14 =	sadd.s32 @!p1 s14, s16;
	s16 =	simm.s32 @!p1 $0x40  }
0x26: {  	[tilespmem:s15], [sflag:$0x1] =	stream.strided.gather @!p1 [hbm4b:s14+s16], $0x2000, s17, s16, $0x38;
	[tilespmem:$0x8080] =	vst v63  }
0x27: {  	p1 =	sge.u32 s31, s5  }
.Ltmp2:
0x28: {  	_ = 	snop;
	(pc) =	sbr.rel @p1 .LBB1_5-.Ltmp2, $1  }
0x29: {  	_ =	sdelay $0x3  }
0x2a: {  	s14 =	simm.s32 $0x1  }
0x2b: {  	_ =	swait.ge [sflag:s4], $0x2000;
	s14 =	simm.s32 @!p0 $0x0  }
0x2c: {  	[sflag:s4] =	ssyncset.done $0x0;
	s15 =	sshll.u32 s14, $0xD  }
0x2d: {  	[sflag:s4] =	ssyncadd.s32 $0xFFFFE000;
	s18 =	sor.u32 $0x20, s15  }
0x2e: {  	s14 =	smul.u32 $0x8100, s14;
	v3 =	vld [tilespmem:s18+$0x10]  }
0x2f: {  	s30 =	sand.u32 $0x1, s11;
	v2 =	vld [tilespmem:s18+$0xFFFFFFF0]  }
0x30: {  	s15 =	smul.u32 $0x8100, s30;
	s14 =	sshrl.u32 s14, $0x2;
	v0 =	vld [tilespmem:s18+$0x0]  }
0x31: {  	v1 =	vld [tilespmem:s18+$0xFFFFFFE0];
	s16 =	sor.u32 $0x4000, s14  }
0x32: {  	s31 =	sshrl.u32 s15, $0x2;
	s15 =	sadd.s32 $0x0, s16  }
0x33: {  	s17 =	simm.s32 $0x4;
	s18 =	sadd.s32 $0x40, s18;
	s14 =	sor.u32 $0x4000, s31;
	[tilespmem:s15+$0x1830 ss:$0x81] =	vst.msk $0xffff, v3  }
.LBB1_3:
0x34: {  	v3 =	vld [tilespmem:s18+$0x10];
	p1 =	sne.s32 s17, $0x1FC;
	[tilespmem:s15+$0x810 ss:$0x81] =	vst.msk $0xffff, v2;
	s19 =	smov.u32 s17;
	s17 =	sadd.s32 $0x4, s17  }
.Ltmp3:
0x35: {  	v2 =	vld [tilespmem:s18+$0xFFFFFFF0];
	[tilespmem:s15+$0x1020 ss:$0x81] =	vst.msk $0xffff, v0;
	(pc) =	sbr.rel @p1 .LBB1_3-.Ltmp3, $4  }
0x36: {  	v0 =	vld [tilespmem:s18+$0x0];
	[tilespmem:s15+$0x0 ss:$0x81] =	vst.msk $0xffff, v1  }
0x37: {  	s15 =	sshra.s32 s19, $0x2;
	v1 =	vld [tilespmem:s18+$0xFFFFFFE0]  }
0x38: {  	s15 =	sadd.s32 s15, s16  }
0x39: {  	s18 =	sadd.s32 $0x40, s18;
	[tilespmem:s15+$0x1830 ss:$0x81] =	vst.msk $0xffff, v3  }
.Ltmp4:
0x3a: {  	_ = 	snop;
	(pc) =	sbr.rel .LBB1_4-.Ltmp4, $1  }
0x3b: {  	_ =	sdelay $0x3  }
.LBB1_6:
0x3c: {  	_ =	sfence.sel $0x180000  }
0x3d: {  	s2 =	simm.s32 $0x1;
	[bflag:$0x0] =	sbarrier.arrive $0xFFFF  }
0x3e: {  	s31 =	simm.s32 $0x2;
	[sflag:s2] =	ssyncpa.u1 $0x1  }
0x3f: {  	[sflag:s31] =	ssyncpa.u1 $0x1  }
0x40: {  	p0 =	sne.s32 s0, $0x0;
	_ =	strace $0x9000004A  }
0x41: {  	s0 =	sadd.s32 @!p0 $0x100000, s1;
	[bflag:$0x2] =	sbarrier.arrive $0xFFFF  }
0x42: {  	[sflag:s0] =	ssyncadd.tile.s32 @!p0 $0x1;
	_ =	shalt  }
.Lfunc_end1:
_tile_overlayer_lowered:
.L_overlay_start_2:
0x43: {  	(tag) =	ssettag $0x2  }
0x44: {  	s0 =	rddreg [dreg:$0x0];
	s2 =	stileid.u32  }
0x45: {  	s1 =	rddreg [dreg:$0x1];
	p0 =	sne.s32 s2, $0x0  }
0x46: {  	s3 =	rddreg [dreg:$0x2];
	[bflag:$0x3] =	sbarrier.arrive $0xFFFF;
	s2 =	simm.s32 @!p0 $0x1C01  }
0x47: {  	[timem:s3], [sflag:s2] =	dma.local @!p0 [hbm:s0], s1  }
0x48: {  	s0 =	simm.s32 @!p0 $0x1  }
0x49: {  	_ =	swait.ge @!p0 [sflag:s0], s1  }
0x4a: {  	s1 =	ssub.s32 @!p0 $0x0, s1;
	[sflag:s0] =	ssyncset.done @!p0 $0x0  }
0x4b: {  	[sflag:s0] =	ssyncadd.s32 @!p0 s1  }
0x4c: {  	[bflag:$0x3] =	sbarrier.arrive $0xFFFF  }
0x4d: {  	_ =	shalt  }

</sc_bundles>
